<compile_context>
chip_gen: v7x
topology: tpu7x:2x2x1
jax: 0.10.2.dev20260603
libtpu: 0.0.44.dev20260713+nightly
codegen_flags: <defaults>
</compile_context>

<pallas_src>
import functools

import jax
import jax.numpy as jnp
from jax import lax
from jax.experimental import pallas as pl
from jax.experimental.pallas import tpu as pltpu
from jax.experimental.pallas import tpu_sc as plsc

VOCAB = 1_000_000
D = 128
B = 16_384
NEG = 20

NC, NS = 2, 16
NW = NC * NS
BPW = B // NW
CHUNK = 64
CPS = BPW // CHUNK
N_CH = NEG * CPS
ALL_CH = 2 * CPS + N_CH

NBUF = 8


@functools.partial(
    pl.kernel,
    out_type=(
        jax.ShapeDtypeStruct((B, D), jnp.float32),
        jax.ShapeDtypeStruct((B, D), jnp.float32),
        jax.ShapeDtypeStruct((NEG, B, D), jnp.float32),
    ),
    mesh=plsc.VectorSubcoreMesh(core_axis_name="c", subcore_axis_name="s"),
    scratch_types=(
        [
            pltpu.VMEM((2 * CPS, CHUNK), jnp.int32),
            pltpu.VMEM((NEG, BPW), jnp.int32),
        ]
        + [pltpu.VMEM((CHUNK, D), jnp.float32)] * NBUF
        + [pltpu.SemaphoreType.DMA] * (2 * NBUF)
    ),
)
def _gather_all(t_emb, c_emb, tid_hbm, cid_hbm, nid_hbm, t_out, c_out, n_out,
                idx_tc, idx_n, *bufs_and_sems):
    bufs = bufs_and_sems[:NBUF]
    sg = bufs_and_sems[NBUF:2 * NBUF]
    sw = bufs_and_sems[2 * NBUF:3 * NBUF]

    wid = lax.axis_index("s") * NC + lax.axis_index("c")
    base = wid * BPW
    pltpu.sync_copy(tid_hbm.at[wid], idx_tc.at[pl.ds(0, CPS)])
    pltpu.sync_copy(cid_hbm.at[wid], idx_tc.at[pl.ds(CPS, CPS)])
    pltpu.sync_copy(nid_hbm.at[:, pl.ds(base, BPW)], idx_n)

    for seg, (table, out) in enumerate(((t_emb, t_out), (c_emb, c_out))):
        descs = []
        for b in range(NBUF):
            if seg > 0:
                pltpu.make_async_copy(c_emb.at[pl.ds(0, CHUNK)],
                                      bufs[b], sw[b]).wait()
            descs.append(pltpu.async_copy(
                table.at[idx_tc.at[seg * CPS + b]], bufs[b], sg[b]))
        for b in range(NBUF):
            descs[b].wait()
            pltpu.async_copy(bufs[b],
                             out.at[pl.ds(base + b * CHUNK, CHUNK)], sw[b])

    @pl.loop(0, N_CH, step=NBUF)
    def _grp(j):
        g = j // CPS
        descs = []
        for b in range(NBUF):
            pltpu.make_async_copy(c_emb.at[pl.ds(0, CHUNK)],
                                  bufs[b], sw[b]).wait()
            descs.append(pltpu.async_copy(
                c_emb.at[idx_n.at[g, pl.ds(b * CHUNK, CHUNK)]],
                bufs[b], sg[b]))
        for b in range(NBUF):
            descs[b].wait()
            pltpu.async_copy(
                bufs[b], n_out.at[g, pl.ds(base + b * CHUNK, CHUNK)], sw[b])

    for b in range(NBUF):
        pltpu.make_async_copy(c_emb.at[pl.ds(0, CHUNK)], bufs[b], sw[b]).wait()


def kernel(target_ids, context_ids, negative_ids, target_emb, context_emb):
    tid = target_ids.astype(jnp.int32).reshape(NW, CPS, CHUNK)
    cid = context_ids.astype(jnp.int32).reshape(NW, CPS, CHUNK)
    nid_t = negative_ids.astype(jnp.int32).T
    target_vector, context_vector, neg_t = _gather_all(
        target_emb, context_emb, tid, cid, nid_t)
    return (target_vector, context_vector, neg_t.transpose(1, 0, 2))

# --- scband reference (transcript-rebuilt; emitter-appended) ---
"""Pipeline reference for scband-word2-vec-53266184405374 (READ-ONLY COPY).

The authoritative reference and input builder live on the scoring server;
editing this copy changes nothing except your own understanding.
"""

import jax, jax.numpy as jnp
import numpy as np

VOCAB_SIZE = 1000000
EMBED_DIM = 128
BATCH = 16384
NEG = 20

def setup_inputs(seed: int = 0) -> dict:
    key = jax.random.key(seed)
    k1, k2, k3, k4, k5 = jax.random.split(key, 5)
    target_ids = jax.random.randint(k1, (BATCH,), 0, VOCAB_SIZE, dtype=jnp.int64 if jax.config.jax_enable_x64 else jnp.int32)
    context_ids = jax.random.randint(k2, (BATCH,), 0, VOCAB_SIZE, dtype=jnp.int64 if jax.config.jax_enable_x64 else jnp.int32)
    negative_ids = jax.random.randint(k3, (BATCH, NEG), 0, VOCAB_SIZE, dtype=jnp.int64 if jax.config.jax_enable_x64 else jnp.int32)
    # learned parameters: two embedding tables initialized uniform(-1, 1) per module init
    target_emb = jax.random.uniform(k4, (VOCAB_SIZE, EMBED_DIM), dtype=jnp.float32, minval=-1.0, maxval=1.0)
    context_emb = jax.random.uniform(k5, (VOCAB_SIZE, EMBED_DIM), dtype=jnp.float32, minval=-1.0, maxval=1.0)
    return {
        "target_ids": target_ids,
        "context_ids": context_ids,
        "negative_ids": negative_ids,
        "target_emb": target_emb,
        "context_emb": context_emb,
    }

def reference(target_ids, context_ids, negative_ids, target_emb, context_emb):
    # Faithful translation of Word2Vec.forward: three embedding lookups (gathers).
    target_vector = jnp.take(target_emb, target_ids, axis=0)        # [B, D]
    context_vector = jnp.take(context_emb, context_ids, axis=0)     # [B, D]
    negative_vector = jnp.take(context_emb, negative_ids, axis=0)   # [B, NEG, D]
    return (target_vector, context_vector, negative_vector)

if __name__ == "__main__":
    import jax
    _d = setup_inputs()
    print(jax.jit(kernel)(*tuple(_d.values())))

</pallas_src>

<mosaic_0001>
#map = affine_map<(d0, d1) -> (0, 0)>
#map1 = affine_map<(d0, d1) -> (0, 0, 0)>
module attributes {stable_mosaic.version = 14 : i64} {
  func.func @_gather_all(%arg0: i32, %arg1: i32, %arg2: memref<1000000x128xf32, #tpu.memory_space<hbm>>, %arg3: memref<1000000x128xf32, #tpu.memory_space<hbm>>, %arg4: memref<32x8x64xi32, #tpu.memory_space<hbm>>, %arg5: memref<32x8x64xi32, #tpu.memory_space<hbm>>, %arg6: memref<20x16384xi32, #tpu.memory_space<hbm>>, %arg7: memref<16384x128xf32, #tpu.memory_space<hbm>>, %arg8: memref<16384x128xf32, #tpu.memory_space<hbm>>, %arg9: memref<20x16384x128xf32, #tpu.memory_space<hbm>>, %arg10: memref<16x64xi32, #tpu.memory_space<vmem>>, %arg11: memref<20x512xi32, #tpu.memory_space<vmem>>, %arg12: memref<64x128xf32, #tpu.memory_space<vmem>>, %arg13: memref<64x128xf32, #tpu.memory_space<vmem>>, %arg14: memref<64x128xf32, #tpu.memory_space<vmem>>, %arg15: memref<64x128xf32, #tpu.memory_space<vmem>>, %arg16: memref<64x128xf32, #tpu.memory_space<vmem>>, %arg17: memref<64x128xf32, #tpu.memory_space<vmem>>, %arg18: memref<64x128xf32, #tpu.memory_space<vmem>>, %arg19: memref<64x128xf32, #tpu.memory_space<vmem>>, %arg20: memref<!tpu.dma_semaphore, #tpu.memory_space<semaphore_mem>>, %arg21: memref<!tpu.dma_semaphore, #tpu.memory_space<semaphore_mem>>, %arg22: memref<!tpu.dma_semaphore, #tpu.memory_space<semaphore_mem>>, %arg23: memref<!tpu.dma_semaphore, #tpu.memory_space<semaphore_mem>>, %arg24: memref<!tpu.dma_semaphore, #tpu.memory_space<semaphore_mem>>, %arg25: memref<!tpu.dma_semaphore, #tpu.memory_space<semaphore_mem>>, %arg26: memref<!tpu.dma_semaphore, #tpu.memory_space<semaphore_mem>>, %arg27: memref<!tpu.dma_semaphore, #tpu.memory_space<semaphore_mem>>, %arg28: memref<!tpu.dma_semaphore, #tpu.memory_space<semaphore_mem>>, %arg29: memref<!tpu.dma_semaphore, #tpu.memory_space<semaphore_mem>>, %arg30: memref<!tpu.dma_semaphore, #tpu.memory_space<semaphore_mem>>, %arg31: memref<!tpu.dma_semaphore, #tpu.memory_space<semaphore_mem>>, %arg32: memref<!tpu.dma_semaphore, #tpu.memory_space<semaphore_mem>>, %arg33: memref<!tpu.dma_semaphore, #tpu.memory_space<semaphore_mem>>, %arg34: memref<!tpu.dma_semaphore, #tpu.memory_space<semaphore_mem>>, %arg35: memref<!tpu.dma_semaphore, #tpu.memory_space<semaphore_mem>>) attributes {dimension_semantics = [#tpu.dimension_semantics<core_parallel>, #tpu.dimension_semantics<subcore_parallel>], iteration_bounds = array<i64: 2, 16>, scalar_prefetch = 0 : i64, scratch_operands = 26 : i64, tpu.core_type = #tpu.core_type<sc_vector_subcore>, window_params = [{transform_indices = #map}, {transform_indices = #map}, {transform_indices = #map1}, {transform_indices = #map1}, {transform_indices = #map}, {transform_indices = #map}, {transform_indices = #map}, {transform_indices = #map1}]} {
    %mul3A = arith.constant 2 : i32
    %mul3A_0 = arith.muli %arg1, %mul3A : i32
    %add3A = arith.addi %mul3A_0, %arg0 : i32
    %mul3A_1 = arith.constant 512 : i32
    %mul3A_2 = arith.muli %add3A, %mul3A_1 : i32
    "tpu.region"() ({
      %run_scoped3A = tpu.sem_alloc : memref<!tpu.dma_semaphore, #tpu.memory_space<semaphore_mem>>
      %dma_start3A_421 = arith.constant 0 : i32
      %dma_start3A_422 = arith.constant 0 : i32
      %dma_start3A_423 = tpu.memref_slice %arg10[%dma_start3A_421, %dma_start3A_422] : memref<16x64xi32, #tpu.memory_space<vmem>> -> memref<8x64xi32, #tpu.memory_space<vmem>>
      %dma_start3A_424 = arith.constant 0 : i32
      %dma_start3A_425 = arith.constant 0 : i32
      %dma_start3A_426 = tpu.memref_slice %arg4[%add3A, %dma_start3A_424, %dma_start3A_425] : memref<32x8x64xi32, #tpu.memory_space<hbm>> -> memref<1x8x64xi32, #tpu.memory_space<hbm>>
      %dma_start3A_427 = tpu.memref_squeeze %dma_start3A_426 : memref<1x8x64xi32, #tpu.memory_space<hbm>> -> memref<8x64xi32, #tpu.memory_space<hbm>>
      %dma_start3A_428 = arith.constant 0 : i32
      %dma_start3A_429 = arith.constant 0 : i32
      %dma_start3A_430 = tpu.memref_slice %arg10[%dma_start3A_428, %dma_start3A_429] : memref<16x64xi32, #tpu.memory_space<vmem>> -> memref<8x64xi32, #tpu.memory_space<vmem>>
      %dma_start3A_431 = arith.constant 0 : i32
      %dma_start3A_432 = arith.constant 0 : i32
      %dma_start3A_433 = tpu.memref_slice %arg4[%add3A, %dma_start3A_431, %dma_start3A_432] : memref<32x8x64xi32, #tpu.memory_space<hbm>> -> memref<1x8x64xi32, #tpu.memory_space<hbm>>
      %dma_start3A_434 = tpu.memref_squeeze %dma_start3A_433 : memref<1x8x64xi32, #tpu.memory_space<hbm>> -> memref<8x64xi32, #tpu.memory_space<hbm>>
      tpu.enqueue_dma source(%dma_start3A_434 : memref<8x64xi32, #tpu.memory_space<hbm>>) target(%dma_start3A_430 : memref<8x64xi32, #tpu.memory_space<vmem>>) target_semaphore(%run_scoped3A : memref<!tpu.dma_semaphore, #tpu.memory_space<semaphore_mem>>)
      %dma_wait3A_435 = arith.constant 0 : i32
      %dma_wait3A_436 = arith.constant 0 : i32
      %dma_wait3A_437 = tpu.memref_slice %arg10[%dma_wait3A_435, %dma_wait3A_436] : memref<16x64xi32, #tpu.memory_space<vmem>> -> memref<8x64xi32, #tpu.memory_space<vmem>>
      %dma_wait3A_438 = arith.constant 0 : i32
      %dma_wait3A_439 = arith.constant 0 : i32
      %dma_wait3A_440 = tpu.memref_slice %arg4[%add3A, %dma_wait3A_438, %dma_wait3A_439] : memref<32x8x64xi32, #tpu.memory_space<hbm>> -> memref<1x8x64xi32, #tpu.memory_space<hbm>>
      %dma_wait3A_441 = tpu.memref_squeeze %dma_wait3A_440 : memref<1x8x64xi32, #tpu.memory_space<hbm>> -> memref<8x64xi32, #tpu.memory_space<hbm>>
      %dma_wait3A_442 = arith.constant 0 : i32
      %dma_wait3A_443 = arith.constant 0 : i32
      %dma_wait3A_444 = tpu.memref_slice %arg10[%dma_wait3A_442, %dma_wait3A_443] : memref<16x64xi32, #tpu.memory_space<vmem>> -> memref<8x64xi32, #tpu.memory_space<vmem>>
      %dma_wait3A_445 = arith.constant 0 : i32
      %dma_wait3A_446 = arith.constant 0 : i32
      %dma_wait3A_447 = tpu.memref_slice %arg4[%add3A, %dma_wait3A_445, %dma_wait3A_446] : memref<32x8x64xi32, #tpu.memory_space<hbm>> -> memref<1x8x64xi32, #tpu.memory_space<hbm>>
      %dma_wait3A_448 = tpu.memref_squeeze %dma_wait3A_447 : memref<1x8x64xi32, #tpu.memory_space<hbm>> -> memref<8x64xi32, #tpu.memory_space<hbm>>
      tpu.wait_dma2 semaphore(%run_scoped3A : memref<!tpu.dma_semaphore, #tpu.memory_space<semaphore_mem>>) src(%dma_wait3A_448 : memref<8x64xi32, #tpu.memory_space<hbm>>) dst(%dma_wait3A_444 : memref<8x64xi32, #tpu.memory_space<vmem>>)
      tpu.yield
    }) : () -> ()
    "tpu.region"() ({
      %run_scoped3A = tpu.sem_alloc : memref<!tpu.dma_semaphore, #tpu.memory_space<semaphore_mem>>
      %dma_start3A_421 = arith.constant 8 : i32
      %dma_start3A_422 = arith.constant 0 : i32
      %dma_start3A_423 = tpu.memref_slice %arg10[%dma_start3A_421, %dma_start3A_422] : memref<16x64xi32, #tpu.memory_space<vmem>> -> memref<8x64xi32, #tpu.memory_space<vmem>>
      %dma_start3A_424 = arith.constant 0 : i32
      %dma_start3A_425 = arith.constant 0 : i32
      %dma_start3A_426 = tpu.memref_slice %arg5[%add3A, %dma_start3A_424, %dma_start3A_425] : memref<32x8x64xi32, #tpu.memory_space<hbm>> -> memref<1x8x64xi32, #tpu.memory_space<hbm>>
      %dma_start3A_427 = tpu.memref_squeeze %dma_start3A_426 : memref<1x8x64xi32, #tpu.memory_space<hbm>> -> memref<8x64xi32, #tpu.memory_space<hbm>>
      %dma_start3A_428 = arith.constant 8 : i32
      %dma_start3A_429 = arith.constant 0 : i32
      %dma_start3A_430 = tpu.memref_slice %arg10[%dma_start3A_428, %dma_start3A_429] : memref<16x64xi32, #tpu.memory_space<vmem>> -> memref<8x64xi32, #tpu.memory_space<vmem>>
      %dma_start3A_431 = arith.constant 0 : i32
      %dma_start3A_432 = arith.constant 0 : i32
      %dma_start3A_433 = tpu.memref_slice %arg5[%add3A, %dma_start3A_431, %dma_start3A_432] : memref<32x8x64xi32, #tpu.memory_space<hbm>> -> memref<1x8x64xi32, #tpu.memory_space<hbm>>
      %dma_start3A_434 = tpu.memref_squeeze %dma_start3A_433 : memref<1x8x64xi32, #tpu.memory_space<hbm>> -> memref<8x64xi32, #tpu.memory_space<hbm>>
      tpu.enqueue_dma source(%dma_start3A_434 : memref<8x64xi32, #tpu.memory_space<hbm>>) target(%dma_start3A_430 : memref<8x64xi32, #tpu.memory_space<vmem>>) target_semaphore(%run_scoped3A : memref<!tpu.dma_semaphore, #tpu.memory_space<semaphore_mem>>)
      %dma_wait3A_435 = arith.constant 8 : i32
      %dma_wait3A_436 = arith.constant 0 : i32
      %dma_wait3A_437 = tpu.memref_slice %arg10[%dma_wait3A_435, %dma_wait3A_436] : memref<16x64xi32, #tpu.memory_space<vmem>> -> memref<8x64xi32, #tpu.memory_space<vmem>>
      %dma_wait3A_438 = arith.constant 0 : i32
      %dma_wait3A_439 = arith.constant 0 : i32
      %dma_wait3A_440 = tpu.memref_slice %arg5[%add3A, %dma_wait3A_438, %dma_wait3A_439] : memref<32x8x64xi32, #tpu.memory_space<hbm>> -> memref<1x8x64xi32, #tpu.memory_space<hbm>>
      %dma_wait3A_441 = tpu.memref_squeeze %dma_wait3A_440 : memref<1x8x64xi32, #tpu.memory_space<hbm>> -> memref<8x64xi32, #tpu.memory_space<hbm>>
      %dma_wait3A_442 = arith.constant 8 : i32
      %dma_wait3A_443 = arith.constant 0 : i32
      %dma_wait3A_444 = tpu.memref_slice %arg10[%dma_wait3A_442, %dma_wait3A_443] : memref<16x64xi32, #tpu.memory_space<vmem>> -> memref<8x64xi32, #tpu.memory_space<vmem>>
      %dma_wait3A_445 = arith.constant 0 : i32
      %dma_wait3A_446 = arith.constant 0 : i32
      %dma_wait3A_447 = tpu.memref_slice %arg5[%add3A, %dma_wait3A_445, %dma_wait3A_446] : memref<32x8x64xi32, #tpu.memory_space<hbm>> -> memref<1x8x64xi32, #tpu.memory_space<hbm>>
      %dma_wait3A_448 = tpu.memref_squeeze %dma_wait3A_447 : memref<1x8x64xi32, #tpu.memory_space<hbm>> -> memref<8x64xi32, #tpu.memory_space<hbm>>
      tpu.wait_dma2 semaphore(%run_scoped3A : memref<!tpu.dma_semaphore, #tpu.memory_space<semaphore_mem>>) src(%dma_wait3A_448 : memref<8x64xi32, #tpu.memory_space<hbm>>) dst(%dma_wait3A_444 : memref<8x64xi32, #tpu.memory_space<vmem>>)
      tpu.yield
    }) : () -> ()
    "tpu.region"() ({
      %run_scoped3A = tpu.sem_alloc : memref<!tpu.dma_semaphore, #tpu.memory_space<semaphore_mem>>
      %dma_start3A_421 = arith.constant 0 : i32
      %dma_start3A_422 = tpu.memref_slice %arg6[%dma_start3A_421, %mul3A_2] : memref<20x16384xi32, #tpu.memory_space<hbm>> -> memref<20x512xi32, #tpu.memory_space<hbm>>
      %dma_start3A_423 = arith.constant 0 : i32
      %dma_start3A_424 = tpu.memref_slice %arg6[%dma_start3A_423, %mul3A_2] : memref<20x16384xi32, #tpu.memory_space<hbm>> -> memref<20x512xi32, #tpu.memory_space<hbm>>
      tpu.enqueue_dma source(%dma_start3A_424 : memref<20x512xi32, #tpu.memory_space<hbm>>) target(%arg11 : memref<20x512xi32, #tpu.memory_space<vmem>>) target_semaphore(%run_scoped3A : memref<!tpu.dma_semaphore, #tpu.memory_space<semaphore_mem>>)
      %dma_wait3A_425 = arith.constant 0 : i32
      %dma_wait3A_426 = tpu.memref_slice %arg6[%dma_wait3A_425, %mul3A_2] : memref<20x16384xi32, #tpu.memory_space<hbm>> -> memref<20x512xi32, #tpu.memory_space<hbm>>
      %dma_wait3A_427 = arith.constant 0 : i32
      %dma_wait3A_428 = tpu.memref_slice %arg6[%dma_wait3A_427, %mul3A_2] : memref<20x16384xi32, #tpu.memory_space<hbm>> -> memref<20x512xi32, #tpu.memory_space<hbm>>
      tpu.wait_dma2 semaphore(%run_scoped3A : memref<!tpu.dma_semaphore, #tpu.memory_space<semaphore_mem>>) src(%dma_wait3A_428 : memref<20x512xi32, #tpu.memory_space<hbm>>) dst(%arg11 : memref<20x512xi32, #tpu.memory_space<vmem>>)
      tpu.yield
    }) : () -> ()
    %dma_start3A = arith.constant 0 : i32
    %dma_start3A_3 = arith.constant 0 : i32
    %dma_start3A_4 = tpu.memref_slice %arg10[%dma_start3A, %dma_start3A_3] : memref<16x64xi32, #tpu.memory_space<vmem>> -> memref<1x64xi32, #tpu.memory_space<vmem>>
    %dma_start3A_5 = tpu.memref_squeeze %dma_start3A_4 : memref<1x64xi32, #tpu.memory_space<vmem>> -> memref<64xi32, #tpu.memory_space<vmem>>
    %dma_start3A_6 = arith.constant 0 : i32
    %dma_start3A_7 = arith.constant 0 : i32
    %dma_start3A_8 = tpu.memref_slice %arg2[%dma_start3A_6, %dma_start3A_7] : memref<1000000x128xf32, #tpu.memory_space<hbm>> -> memref<1000000x128xf32, #tpu.memory_space<hbm>>
    tpu.enqueue_indirect_dma source(%dma_start3A_8 : memref<1000000x128xf32, #tpu.memory_space<hbm>>) target(%arg12 : memref<64x128xf32, #tpu.memory_space<vmem>>) offsets(%dma_start3A_5 : memref<64xi32, #tpu.memory_space<vmem>>) semaphore(%arg20 : memref<!tpu.dma_semaphore, #tpu.memory_space<semaphore_mem>>)
    %dma_start3A_9 = arith.constant 1 : i32
    %dma_start3A_10 = arith.constant 0 : i32
    %dma_start3A_11 = tpu.memref_slice %arg10[%dma_start3A_9, %dma_start3A_10] : memref<16x64xi32, #tpu.memory_space<vmem>> -> memref<1x64xi32, #tpu.memory_space<vmem>>
    %dma_start3A_12 = tpu.memref_squeeze %dma_start3A_11 : memref<1x64xi32, #tpu.memory_space<vmem>> -> memref<64xi32, #tpu.memory_space<vmem>>
    %dma_start3A_13 = arith.constant 0 : i32
    %dma_start3A_14 = arith.constant 0 : i32
    %dma_start3A_15 = tpu.memref_slice %arg2[%dma_start3A_13, %dma_start3A_14] : memref<1000000x128xf32, #tpu.memory_space<hbm>> -> memref<1000000x128xf32, #tpu.memory_space<hbm>>
    tpu.enqueue_indirect_dma source(%dma_start3A_15 : memref<1000000x128xf32, #tpu.memory_space<hbm>>) target(%arg13 : memref<64x128xf32, #tpu.memory_space<vmem>>) offsets(%dma_start3A_12 : memref<64xi32, #tpu.memory_space<vmem>>) semaphore(%arg21 : memref<!tpu.dma_semaphore, #tpu.memory_space<semaphore_mem>>)
    %dma_start3A_16 = arith.constant 2 : i32
    %dma_start3A_17 = arith.constant 0 : i32
    %dma_start3A_18 = tpu.memref_slice %arg10[%dma_start3A_16, %dma_start3A_17] : memref<16x64xi32, #tpu.memory_space<vmem>> -> memref<1x64xi32, #tpu.memory_space<vmem>>
    %dma_start3A_19 = tpu.memref_squeeze %dma_start3A_18 : memref<1x64xi32, #tpu.memory_space<vmem>> -> memref<64xi32, #tpu.memory_space<vmem>>
    %dma_start3A_20 = arith.constant 0 : i32
    %dma_start3A_21 = arith.constant 0 : i32
    %dma_start3A_22 = tpu.memref_slice %arg2[%dma_start3A_20, %dma_start3A_21] : memref<1000000x128xf32, #tpu.memory_space<hbm>> -> memref<1000000x128xf32, #tpu.memory_space<hbm>>
    tpu.enqueue_indirect_dma source(%dma_start3A_22 : memref<1000000x128xf32, #tpu.memory_space<hbm>>) target(%arg14 : memref<64x128xf32, #tpu.memory_space<vmem>>) offsets(%dma_start3A_19 : memref<64xi32, #tpu.memory_space<vmem>>) semaphore(%arg22 : memref<!tpu.dma_semaphore, #tpu.memory_space<semaphore_mem>>)
    %dma_start3A_23 = arith.constant 3 : i32
    %dma_start3A_24 = arith.constant 0 : i32
    %dma_start3A_25 = tpu.memref_slice %arg10[%dma_start3A_23, %dma_start3A_24] : memref<16x64xi32, #tpu.memory_space<vmem>> -> memref<1x64xi32, #tpu.memory_space<vmem>>
    %dma_start3A_26 = tpu.memref_squeeze %dma_start3A_25 : memref<1x64xi32, #tpu.memory_space<vmem>> -> memref<64xi32, #tpu.memory_space<vmem>>
    %dma_start3A_27 = arith.constant 0 : i32
    %dma_start3A_28 = arith.constant 0 : i32
    %dma_start3A_29 = tpu.memref_slice %arg2[%dma_start3A_27, %dma_start3A_28] : memref<1000000x128xf32, #tpu.memory_space<hbm>> -> memref<1000000x128xf32, #tpu.memory_space<hbm>>
    tpu.enqueue_indirect_dma source(%dma_start3A_29 : memref<1000000x128xf32, #tpu.memory_space<hbm>>) target(%arg15 : memref<64x128xf32, #tpu.memory_space<vmem>>) offsets(%dma_start3A_26 : memref<64xi32, #tpu.memory_space<vmem>>) semaphore(%arg23 : memref<!tpu.dma_semaphore, #tpu.memory_space<semaphore_mem>>)
    %dma_start3A_30 = arith.constant 4 : i32
    %dma_start3A_31 = arith.constant 0 : i32
    %dma_start3A_32 = tpu.memref_slice %arg10[%dma_start3A_30, %dma_start3A_31] : memref<16x64xi32, #tpu.memory_space<vmem>> -> memref<1x64xi32, #tpu.memory_space<vmem>>
    %dma_start3A_33 = tpu.memref_squeeze %dma_start3A_32 : memref<1x64xi32, #tpu.memory_space<vmem>> -> memref<64xi32, #tpu.memory_space<vmem>>
    %dma_start3A_34 = arith.constant 0 : i32
    %dma_start3A_35 = arith.constant 0 : i32
    %dma_start3A_36 = tpu.memref_slice %arg2[%dma_start3A_34, %dma_start3A_35] : memref<1000000x128xf32, #tpu.memory_space<hbm>> -> memref<1000000x128xf32, #tpu.memory_space<hbm>>
    tpu.enqueue_indirect_dma source(%dma_start3A_36 : memref<1000000x128xf32, #tpu.memory_space<hbm>>) target(%arg16 : memref<64x128xf32, #tpu.memory_space<vmem>>) offsets(%dma_start3A_33 : memref<64xi32, #tpu.memory_space<vmem>>) semaphore(%arg24 : memref<!tpu.dma_semaphore, #tpu.memory_space<semaphore_mem>>)
    %dma_start3A_37 = arith.constant 5 : i32
    %dma_start3A_38 = arith.constant 0 : i32
    %dma_start3A_39 = tpu.memref_slice %arg10[%dma_start3A_37, %dma_start3A_38] : memref<16x64xi32, #tpu.memory_space<vmem>> -> memref<1x64xi32, #tpu.memory_space<vmem>>
    %dma_start3A_40 = tpu.memref_squeeze %dma_start3A_39 : memref<1x64xi32, #tpu.memory_space<vmem>> -> memref<64xi32, #tpu.memory_space<vmem>>
    %dma_start3A_41 = arith.constant 0 : i32
    %dma_start3A_42 = arith.constant 0 : i32
    %dma_start3A_43 = tpu.memref_slice %arg2[%dma_start3A_41, %dma_start3A_42] : memref<1000000x128xf32, #tpu.memory_space<hbm>> -> memref<1000000x128xf32, #tpu.memory_space<hbm>>
    tpu.enqueue_indirect_dma source(%dma_start3A_43 : memref<1000000x128xf32, #tpu.memory_space<hbm>>) target(%arg17 : memref<64x128xf32, #tpu.memory_space<vmem>>) offsets(%dma_start3A_40 : memref<64xi32, #tpu.memory_space<vmem>>) semaphore(%arg25 : memref<!tpu.dma_semaphore, #tpu.memory_space<semaphore_mem>>)
    %dma_start3A_44 = arith.constant 6 : i32
    %dma_start3A_45 = arith.constant 0 : i32
    %dma_start3A_46 = tpu.memref_slice %arg10[%dma_start3A_44, %dma_start3A_45] : memref<16x64xi32, #tpu.memory_space<vmem>> -> memref<1x64xi32, #tpu.memory_space<vmem>>
    %dma_start3A_47 = tpu.memref_squeeze %dma_start3A_46 : memref<1x64xi32, #tpu.memory_space<vmem>> -> memref<64xi32, #tpu.memory_space<vmem>>
    %dma_start3A_48 = arith.constant 0 : i32
    %dma_start3A_49 = arith.constant 0 : i32
    %dma_start3A_50 = tpu.memref_slice %arg2[%dma_start3A_48, %dma_start3A_49] : memref<1000000x128xf32, #tpu.memory_space<hbm>> -> memref<1000000x128xf32, #tpu.memory_space<hbm>>
    tpu.enqueue_indirect_dma source(%dma_start3A_50 : memref<1000000x128xf32, #tpu.memory_space<hbm>>) target(%arg18 : memref<64x128xf32, #tpu.memory_space<vmem>>) offsets(%dma_start3A_47 : memref<64xi32, #tpu.memory_space<vmem>>) semaphore(%arg26 : memref<!tpu.dma_semaphore, #tpu.memory_space<semaphore_mem>>)
    %dma_start3A_51 = arith.constant 7 : i32
    %dma_start3A_52 = arith.constant 0 : i32
    %dma_start3A_53 = tpu.memref_slice %arg10[%dma_start3A_51, %dma_start3A_52] : memref<16x64xi32, #tpu.memory_space<vmem>> -> memref<1x64xi32, #tpu.memory_space<vmem>>
    %dma_start3A_54 = tpu.memref_squeeze %dma_start3A_53 : memref<1x64xi32, #tpu.memory_space<vmem>> -> memref<64xi32, #tpu.memory_space<vmem>>
    %dma_start3A_55 = arith.constant 0 : i32
    %dma_start3A_56 = arith.constant 0 : i32
    %dma_start3A_57 = tpu.memref_slice %arg2[%dma_start3A_55, %dma_start3A_56] : memref<1000000x128xf32, #tpu.memory_space<hbm>> -> memref<1000000x128xf32, #tpu.memory_space<hbm>>
    tpu.enqueue_indirect_dma source(%dma_start3A_57 : memref<1000000x128xf32, #tpu.memory_space<hbm>>) target(%arg19 : memref<64x128xf32, #tpu.memory_space<vmem>>) offsets(%dma_start3A_54 : memref<64xi32, #tpu.memory_space<vmem>>) semaphore(%arg27 : memref<!tpu.dma_semaphore, #tpu.memory_space<semaphore_mem>>)
    %dma_wait3A = arith.constant 0 : i32
    %dma_wait3A_58 = arith.constant 0 : i32
    %dma_wait3A_59 = tpu.memref_slice %arg10[%dma_wait3A, %dma_wait3A_58] : memref<16x64xi32, #tpu.memory_space<vmem>> -> memref<1x64xi32, #tpu.memory_space<vmem>>
    %dma_wait3A_60 = tpu.memref_squeeze %dma_wait3A_59 : memref<1x64xi32, #tpu.memory_space<vmem>> -> memref<64xi32, #tpu.memory_space<vmem>>
    %dma_wait3A_61 = arith.constant 0 : i32
    %dma_wait3A_62 = arith.constant 0 : i32
    %dma_wait3A_63 = tpu.memref_slice %arg2[%dma_wait3A_61, %dma_wait3A_62] : memref<1000000x128xf32, #tpu.memory_space<hbm>> -> memref<1000000x128xf32, #tpu.memory_space<hbm>>
    tpu.wait_indirect_dma semaphore(%arg20 : memref<!tpu.dma_semaphore, #tpu.memory_space<semaphore_mem>>) src(%dma_wait3A_63 : memref<1000000x128xf32, #tpu.memory_space<hbm>>) dst(%arg12 : memref<64x128xf32, #tpu.memory_space<vmem>>)
    %add3A_64 = arith.constant 0 : i32
    %add3A_65 = arith.addi %mul3A_2, %add3A_64 : i32
    %dma_start3A_66 = arith.constant 0 : i32
    %dma_start3A_67 = tpu.memref_slice %arg7[%add3A_65, %dma_start3A_66] : memref<16384x128xf32, #tpu.memory_space<hbm>> -> memref<64x128xf32, #tpu.memory_space<hbm>>
    %dma_start3A_68 = arith.constant 0 : i32
    %dma_start3A_69 = tpu.memref_slice %arg7[%add3A_65, %dma_start3A_68] : memref<16384x128xf32, #tpu.memory_space<hbm>> -> memref<64x128xf32, #tpu.memory_space<hbm>>
    tpu.enqueue_dma source(%arg12 : memref<64x128xf32, #tpu.memory_space<vmem>>) target(%dma_start3A_69 : memref<64x128xf32, #tpu.memory_space<hbm>>) target_semaphore(%arg28 : memref<!tpu.dma_semaphore, #tpu.memory_space<semaphore_mem>>)
    %dma_wait3A_70 = arith.constant 1 : i32
    %dma_wait3A_71 = arith.constant 0 : i32
    %dma_wait3A_72 = tpu.memref_slice %arg10[%dma_wait3A_70, %dma_wait3A_71] : memref<16x64xi32, #tpu.memory_space<vmem>> -> memref<1x64xi32, #tpu.memory_space<vmem>>
    %dma_wait3A_73 = tpu.memref_squeeze %dma_wait3A_72 : memref<1x64xi32, #tpu.memory_space<vmem>> -> memref<64xi32, #tpu.memory_space<vmem>>
    %dma_wait3A_74 = arith.constant 0 : i32
    %dma_wait3A_75 = arith.constant 0 : i32
    %dma_wait3A_76 = tpu.memref_slice %arg2[%dma_wait3A_74, %dma_wait3A_75] : memref<1000000x128xf32, #tpu.memory_space<hbm>> -> memref<1000000x128xf32, #tpu.memory_space<hbm>>
    tpu.wait_indirect_dma semaphore(%arg21 : memref<!tpu.dma_semaphore, #tpu.memory_space<semaphore_mem>>) src(%dma_wait3A_76 : memref<1000000x128xf32, #tpu.memory_space<hbm>>) dst(%arg13 : memref<64x128xf32, #tpu.memory_space<vmem>>)
    %add3A_77 = arith.constant 64 : i32
    %add3A_78 = arith.addi %mul3A_2, %add3A_77 : i32
    %dma_start3A_79 = arith.constant 0 : i32
    %dma_start3A_80 = tpu.memref_slice %arg7[%add3A_78, %dma_start3A_79] : memref<16384x128xf32, #tpu.memory_space<hbm>> -> memref<64x128xf32, #tpu.memory_space<hbm>>
    %dma_start3A_81 = arith.constant 0 : i32
    %dma_start3A_82 = tpu.memref_slice %arg7[%add3A_78, %dma_start3A_81] : memref<16384x128xf32, #tpu.memory_space<hbm>> -> memref<64x128xf32, #tpu.memory_space<hbm>>
    tpu.enqueue_dma source(%arg13 : memref<64x128xf32, #tpu.memory_space<vmem>>) target(%dma_start3A_82 : memref<64x128xf32, #tpu.memory_space<hbm>>) target_semaphore(%arg29 : memref<!tpu.dma_semaphore, #tpu.memory_space<semaphore_mem>>)
    %dma_wait3A_83 = arith.constant 2 : i32
    %dma_wait3A_84 = arith.constant 0 : i32
    %dma_wait3A_85 = tpu.memref_slice %arg10[%dma_wait3A_83, %dma_wait3A_84] : memref<16x64xi32, #tpu.memory_space<vmem>> -> memref<1x64xi32, #tpu.memory_space<vmem>>
    %dma_wait3A_86 = tpu.memref_squeeze %dma_wait3A_85 : memref<1x64xi32, #tpu.memory_space<vmem>> -> memref<64xi32, #tpu.memory_space<vmem>>
    %dma_wait3A_87 = arith.constant 0 : i32
    %dma_wait3A_88 = arith.constant 0 : i32
    %dma_wait3A_89 = tpu.memref_slice %arg2[%dma_wait3A_87, %dma_wait3A_88] : memref<1000000x128xf32, #tpu.memory_space<hbm>> -> memref<1000000x128xf32, #tpu.memory_space<hbm>>
    tpu.wait_indirect_dma semaphore(%arg22 : memref<!tpu.dma_semaphore, #tpu.memory_space<semaphore_mem>>) src(%dma_wait3A_89 : memref<1000000x128xf32, #tpu.memory_space<hbm>>) dst(%arg14 : memref<64x128xf32, #tpu.memory_space<vmem>>)
    %add3A_90 = arith.constant 128 : i32
    %add3A_91 = arith.addi %mul3A_2, %add3A_90 : i32
    %dma_start3A_92 = arith.constant 0 : i32
    %dma_start3A_93 = tpu.memref_slice %arg7[%add3A_91, %dma_start3A_92] : memref<16384x128xf32, #tpu.memory_space<hbm>> -> memref<64x128xf32, #tpu.memory_space<hbm>>
    %dma_start3A_94 = arith.constant 0 : i32
    %dma_start3A_95 = tpu.memref_slice %arg7[%add3A_91, %dma_start3A_94] : memref<16384x128xf32, #tpu.memory_space<hbm>> -> memref<64x128xf32, #tpu.memory_space<hbm>>
    tpu.enqueue_dma source(%arg14 : memref<64x128xf32, #tpu.memory_space<vmem>>) target(%dma_start3A_95 : memref<64x128xf32, #tpu.memory_space<hbm>>) target_semaphore(%arg30 : memref<!tpu.dma_semaphore, #tpu.memory_space<semaphore_mem>>)
    %dma_wait3A_96 = arith.constant 3 : i32
    %dma_wait3A_97 = arith.constant 0 : i32
    %dma_wait3A_98 = tpu.memref_slice %arg10[%dma_wait3A_96, %dma_wait3A_97] : memref<16x64xi32, #tpu.memory_space<vmem>> -> memref<1x64xi32, #tpu.memory_space<vmem>>
    %dma_wait3A_99 = tpu.memref_squeeze %dma_wait3A_98 : memref<1x64xi32, #tpu.memory_space<vmem>> -> memref<64xi32, #tpu.memory_space<vmem>>
    %dma_wait3A_100 = arith.constant 0 : i32
    %dma_wait3A_101 = arith.constant 0 : i32
    %dma_wait3A_102 = tpu.memref_slice %arg2[%dma_wait3A_100, %dma_wait3A_101] : memref<1000000x128xf32, #tpu.memory_space<hbm>> -> memref<1000000x128xf32, #tpu.memory_space<hbm>>
    tpu.wait_indirect_dma semaphore(%arg23 : memref<!tpu.dma_semaphore, #tpu.memory_space<semaphore_mem>>) src(%dma_wait3A_102 : memref<1000000x128xf32, #tpu.memory_space<hbm>>) dst(%arg15 : memref<64x128xf32, #tpu.memory_space<vmem>>)
    %add3A_103 = arith.constant 192 : i32
    %add3A_104 = arith.addi %mul3A_2, %add3A_103 : i32
    %dma_start3A_105 = arith.constant 0 : i32
    %dma_start3A_106 = tpu.memref_slice %arg7[%add3A_104, %dma_start3A_105] : memref<16384x128xf32, #tpu.memory_space<hbm>> -> memref<64x128xf32, #tpu.memory_space<hbm>>
    %dma_start3A_107 = arith.constant 0 : i32
    %dma_start3A_108 = tpu.memref_slice %arg7[%add3A_104, %dma_start3A_107] : memref<16384x128xf32, #tpu.memory_space<hbm>> -> memref<64x128xf32, #tpu.memory_space<hbm>>
    tpu.enqueue_dma source(%arg15 : memref<64x128xf32, #tpu.memory_space<vmem>>) target(%dma_start3A_108 : memref<64x128xf32, #tpu.memory_space<hbm>>) target_semaphore(%arg31 : memref<!tpu.dma_semaphore, #tpu.memory_space<semaphore_mem>>)
    %dma_wait3A_109 = arith.constant 4 : i32
    %dma_wait3A_110 = arith.constant 0 : i32
    %dma_wait3A_111 = tpu.memref_slice %arg10[%dma_wait3A_109, %dma_wait3A_110] : memref<16x64xi32, #tpu.memory_space<vmem>> -> memref<1x64xi32, #tpu.memory_space<vmem>>
    %dma_wait3A_112 = tpu.memref_squeeze %dma_wait3A_111 : memref<1x64xi32, #tpu.memory_space<vmem>> -> memref<64xi32, #tpu.memory_space<vmem>>
    %dma_wait3A_113 = arith.constant 0 : i32
    %dma_wait3A_114 = arith.constant 0 : i32
    %dma_wait3A_115 = tpu.memref_slice %arg2[%dma_wait3A_113, %dma_wait3A_114] : memref<1000000x128xf32, #tpu.memory_space<hbm>> -> memref<1000000x128xf32, #tpu.memory_space<hbm>>
    tpu.wait_indirect_dma semaphore(%arg24 : memref<!tpu.dma_semaphore, #tpu.memory_space<semaphore_mem>>) src(%dma_wait3A_115 : memref<1000000x128xf32, #tpu.memory_space<hbm>>) dst(%arg16 : memref<64x128xf32, #tpu.memory_space<vmem>>)
    %add3A_116 = arith.constant 256 : i32
    %add3A_117 = arith.addi %mul3A_2, %add3A_116 : i32
    %dma_start3A_118 = arith.constant 0 : i32
    %dma_start3A_119 = tpu.memref_slice %arg7[%add3A_117, %dma_start3A_118] : memref<16384x128xf32, #tpu.memory_space<hbm>> -> memref<64x128xf32, #tpu.memory_space<hbm>>
    %dma_start3A_120 = arith.constant 0 : i32
    %dma_start3A_121 = tpu.memref_slice %arg7[%add3A_117, %dma_start3A_120] : memref<16384x128xf32, #tpu.memory_space<hbm>> -> memref<64x128xf32, #tpu.memory_space<hbm>>
    tpu.enqueue_dma source(%arg16 : memref<64x128xf32, #tpu.memory_space<vmem>>) target(%dma_start3A_121 : memref<64x128xf32, #tpu.memory_space<hbm>>) target_semaphore(%arg32 : memref<!tpu.dma_semaphore, #tpu.memory_space<semaphore_mem>>)
    %dma_wait3A_122 = arith.constant 5 : i32
    %dma_wait3A_123 = arith.constant 0 : i32
    %dma_wait3A_124 = tpu.memref_slice %arg10[%dma_wait3A_122, %dma_wait3A_123] : memref<16x64xi32, #tpu.memory_space<vmem>> -> memref<1x64xi32, #tpu.memory_space<vmem>>
    %dma_wait3A_125 = tpu.memref_squeeze %dma_wait3A_124 : memref<1x64xi32, #tpu.memory_space<vmem>> -> memref<64xi32, #tpu.memory_space<vmem>>
    %dma_wait3A_126 = arith.constant 0 : i32
    %dma_wait3A_127 = arith.constant 0 : i32
    %dma_wait3A_128 = tpu.memref_slice %arg2[%dma_wait3A_126, %dma_wait3A_127] : memref<1000000x128xf32, #tpu.memory_space<hbm>> -> memref<1000000x128xf32, #tpu.memory_space<hbm>>
    tpu.wait_indirect_dma semaphore(%arg25 : memref<!tpu.dma_semaphore, #tpu.memory_space<semaphore_mem>>) src(%dma_wait3A_128 : memref<1000000x128xf32, #tpu.memory_space<hbm>>) dst(%arg17 : memref<64x128xf32, #tpu.memory_space<vmem>>)
    %add3A_129 = arith.constant 320 : i32
    %add3A_130 = arith.addi %mul3A_2, %add3A_129 : i32
    %dma_start3A_131 = arith.constant 0 : i32
    %dma_start3A_132 = tpu.memref_slice %arg7[%add3A_130, %dma_start3A_131] : memref<16384x128xf32, #tpu.memory_space<hbm>> -> memref<64x128xf32, #tpu.memory_space<hbm>>
    %dma_start3A_133 = arith.constant 0 : i32
    %dma_start3A_134 = tpu.memref_slice %arg7[%add3A_130, %dma_start3A_133] : memref<16384x128xf32, #tpu.memory_space<hbm>> -> memref<64x128xf32, #tpu.memory_space<hbm>>
    tpu.enqueue_dma source(%arg17 : memref<64x128xf32, #tpu.memory_space<vmem>>) target(%dma_start3A_134 : memref<64x128xf32, #tpu.memory_space<hbm>>) target_semaphore(%arg33 : memref<!tpu.dma_semaphore, #tpu.memory_space<semaphore_mem>>)
    %dma_wait3A_135 = arith.constant 6 : i32
    %dma_wait3A_136 = arith.constant 0 : i32
    %dma_wait3A_137 = tpu.memref_slice %arg10[%dma_wait3A_135, %dma_wait3A_136] : memref<16x64xi32, #tpu.memory_space<vmem>> -> memref<1x64xi32, #tpu.memory_space<vmem>>
    %dma_wait3A_138 = tpu.memref_squeeze %dma_wait3A_137 : memref<1x64xi32, #tpu.memory_space<vmem>> -> memref<64xi32, #tpu.memory_space<vmem>>
    %dma_wait3A_139 = arith.constant 0 : i32
    %dma_wait3A_140 = arith.constant 0 : i32
    %dma_wait3A_141 = tpu.memref_slice %arg2[%dma_wait3A_139, %dma_wait3A_140] : memref<1000000x128xf32, #tpu.memory_space<hbm>> -> memref<1000000x128xf32, #tpu.memory_space<hbm>>
    tpu.wait_indirect_dma semaphore(%arg26 : memref<!tpu.dma_semaphore, #tpu.memory_space<semaphore_mem>>) src(%dma_wait3A_141 : memref<1000000x128xf32, #tpu.memory_space<hbm>>) dst(%arg18 : memref<64x128xf32, #tpu.memory_space<vmem>>)
    %add3A_142 = arith.constant 384 : i32
    %add3A_143 = arith.addi %mul3A_2, %add3A_142 : i32
    %dma_start3A_144 = arith.constant 0 : i32
    %dma_start3A_145 = tpu.memref_slice %arg7[%add3A_143, %dma_start3A_144] : memref<16384x128xf32, #tpu.memory_space<hbm>> -> memref<64x128xf32, #tpu.memory_space<hbm>>
    %dma_start3A_146 = arith.constant 0 : i32
    %dma_start3A_147 = tpu.memref_slice %arg7[%add3A_143, %dma_start3A_146] : memref<16384x128xf32, #tpu.memory_space<hbm>> -> memref<64x128xf32, #tpu.memory_space<hbm>>
    tpu.enqueue_dma source(%arg18 : memref<64x128xf32, #tpu.memory_space<vmem>>) target(%dma_start3A_147 : memref<64x128xf32, #tpu.memory_space<hbm>>) target_semaphore(%arg34 : memref<!tpu.dma_semaphore, #tpu.memory_space<semaphore_mem>>)
    %dma_wait3A_148 = arith.constant 7 : i32
    %dma_wait3A_149 = arith.constant 0 : i32
    %dma_wait3A_150 = tpu.memref_slice %arg10[%dma_wait3A_148, %dma_wait3A_149] : memref<16x64xi32, #tpu.memory_space<vmem>> -> memref<1x64xi32, #tpu.memory_space<vmem>>
    %dma_wait3A_151 = tpu.memref_squeeze %dma_wait3A_150 : memref<1x64xi32, #tpu.memory_space<vmem>> -> memref<64xi32, #tpu.memory_space<vmem>>
    %dma_wait3A_152 = arith.constant 0 : i32
    %dma_wait3A_153 = arith.constant 0 : i32
    %dma_wait3A_154 = tpu.memref_slice %arg2[%dma_wait3A_152, %dma_wait3A_153] : memref<1000000x128xf32, #tpu.memory_space<hbm>> -> memref<1000000x128xf32, #tpu.memory_space<hbm>>
    tpu.wait_indirect_dma semaphore(%arg27 : memref<!tpu.dma_semaphore, #tpu.memory_space<semaphore_mem>>) src(%dma_wait3A_154 : memref<1000000x128xf32, #tpu.memory_space<hbm>>) dst(%arg19 : memref<64x128xf32, #tpu.memory_space<vmem>>)
    %add3A_155 = arith.constant 448 : i32
    %add3A_156 = arith.addi %mul3A_2, %add3A_155 : i32
    %dma_start3A_157 = arith.constant 0 : i32
    %dma_start3A_158 = tpu.memref_slice %arg7[%add3A_156, %dma_start3A_157] : memref<16384x128xf32, #tpu.memory_space<hbm>> -> memref<64x128xf32, #tpu.memory_space<hbm>>
    %dma_start3A_159 = arith.constant 0 : i32
    %dma_start3A_160 = tpu.memref_slice %arg7[%add3A_156, %dma_start3A_159] : memref<16384x128xf32, #tpu.memory_space<hbm>> -> memref<64x128xf32, #tpu.memory_space<hbm>>
    tpu.enqueue_dma source(%arg19 : memref<64x128xf32, #tpu.memory_space<vmem>>) target(%dma_start3A_160 : memref<64x128xf32, #tpu.memory_space<hbm>>) target_semaphore(%arg35 : memref<!tpu.dma_semaphore, #tpu.memory_space<semaphore_mem>>)
    %dma_wait3A_161 = arith.constant 0 : i32
    %dma_wait3A_162 = arith.constant 0 : i32
    %dma_wait3A_163 = tpu.memref_slice %arg3[%dma_wait3A_161, %dma_wait3A_162] : memref<1000000x128xf32, #tpu.memory_space<hbm>> -> memref<64x128xf32, #tpu.memory_space<hbm>>
    %dma_wait3A_164 = arith.constant 0 : i32
    %dma_wait3A_165 = arith.constant 0 : i32
    %dma_wait3A_166 = tpu.memref_slice %arg3[%dma_wait3A_164, %dma_wait3A_165] : memref<1000000x128xf32, #tpu.memory_space<hbm>> -> memref<64x128xf32, #tpu.memory_space<hbm>>
    tpu.wait_dma2 semaphore(%arg28 : memref<!tpu.dma_semaphore, #tpu.memory_space<semaphore_mem>>) src(%dma_wait3A_166 : memref<64x128xf32, #tpu.memory_space<hbm>>) dst(%arg12 : memref<64x128xf32, #tpu.memory_space<vmem>>)
    %dma_start3A_167 = arith.constant 8 : i32
    %dma_start3A_168 = arith.constant 0 : i32
    %dma_start3A_169 = tpu.memref_slice %arg10[%dma_start3A_167, %dma_start3A_168] : memref<16x64xi32, #tpu.memory_space<vmem>> -> memref<1x64xi32, #tpu.memory_space<vmem>>
    %dma_start3A_170 = tpu.memref_squeeze %dma_start3A_169 : memref<1x64xi32, #tpu.memory_space<vmem>> -> memref<64xi32, #tpu.memory_space<vmem>>
    %dma_start3A_171 = arith.constant 0 : i32
    %dma_start3A_172 = arith.constant 0 : i32
    %dma_start3A_173 = tpu.memref_slice %arg3[%dma_start3A_171, %dma_start3A_172] : memref<1000000x128xf32, #tpu.memory_space<hbm>> -> memref<1000000x128xf32, #tpu.memory_space<hbm>>
    tpu.enqueue_indirect_dma source(%dma_start3A_173 : memref<1000000x128xf32, #tpu.memory_space<hbm>>) target(%arg12 : memref<64x128xf32, #tpu.memory_space<vmem>>) offsets(%dma_start3A_170 : memref<64xi32, #tpu.memory_space<vmem>>) semaphore(%arg20 : memref<!tpu.dma_semaphore, #tpu.memory_space<semaphore_mem>>)
    %dma_wait3A_174 = arith.constant 0 : i32
    %dma_wait3A_175 = arith.constant 0 : i32
    %dma_wait3A_176 = tpu.memref_slice %arg3[%dma_wait3A_174, %dma_wait3A_175] : memref<1000000x128xf32, #tpu.memory_space<hbm>> -> memref<64x128xf32, #tpu.memory_space<hbm>>
    %dma_wait3A_177 = arith.constant 0 : i32
    %dma_wait3A_178 = arith.constant 0 : i32
    %dma_wait3A_179 = tpu.memref_slice %arg3[%dma_wait3A_177, %dma_wait3A_178] : memref<1000000x128xf32, #tpu.memory_space<hbm>> -> memref<64x128xf32, #tpu.memory_space<hbm>>
    tpu.wait_dma2 semaphore(%arg29 : memref<!tpu.dma_semaphore, #tpu.memory_space<semaphore_mem>>) src(%dma_wait3A_179 : memref<64x128xf32, #tpu.memory_space<hbm>>) dst(%arg13 : memref<64x128xf32, #tpu.memory_space<vmem>>)
    %dma_start3A_180 = arith.constant 9 : i32
    %dma_start3A_181 = arith.constant 0 : i32
    %dma_start3A_182 = tpu.memref_slice %arg10[%dma_start3A_180, %dma_start3A_181] : memref<16x64xi32, #tpu.memory_space<vmem>> -> memref<1x64xi32, #tpu.memory_space<vmem>>
    %dma_start3A_183 = tpu.memref_squeeze %dma_start3A_182 : memref<1x64xi32, #tpu.memory_space<vmem>> -> memref<64xi32, #tpu.memory_space<vmem>>
    %dma_start3A_184 = arith.constant 0 : i32
    %dma_start3A_185 = arith.constant 0 : i32
    %dma_start3A_186 = tpu.memref_slice %arg3[%dma_start3A_184, %dma_start3A_185] : memref<1000000x128xf32, #tpu.memory_space<hbm>> -> memref<1000000x128xf32, #tpu.memory_space<hbm>>
    tpu.enqueue_indirect_dma source(%dma_start3A_186 : memref<1000000x128xf32, #tpu.memory_space<hbm>>) target(%arg13 : memref<64x128xf32, #tpu.memory_space<vmem>>) offsets(%dma_start3A_183 : memref<64xi32, #tpu.memory_space<vmem>>) semaphore(%arg21 : memref<!tpu.dma_semaphore, #tpu.memory_space<semaphore_mem>>)
    %dma_wait3A_187 = arith.constant 0 : i32
    %dma_wait3A_188 = arith.constant 0 : i32
    %dma_wait3A_189 = tpu.memref_slice %arg3[%dma_wait3A_187, %dma_wait3A_188] : memref<1000000x128xf32, #tpu.memory_space<hbm>> -> memref<64x128xf32, #tpu.memory_space<hbm>>
    %dma_wait3A_190 = arith.constant 0 : i32
    %dma_wait3A_191 = arith.constant 0 : i32
    %dma_wait3A_192 = tpu.memref_slice %arg3[%dma_wait3A_190, %dma_wait3A_191] : memref<1000000x128xf32, #tpu.memory_space<hbm>> -> memref<64x128xf32, #tpu.memory_space<hbm>>
    tpu.wait_dma2 semaphore(%arg30 : memref<!tpu.dma_semaphore, #tpu.memory_space<semaphore_mem>>) src(%dma_wait3A_192 : memref<64x128xf32, #tpu.memory_space<hbm>>) dst(%arg14 : memref<64x128xf32, #tpu.memory_space<vmem>>)
    %dma_start3A_193 = arith.constant 10 : i32
    %dma_start3A_194 = arith.constant 0 : i32
    %dma_start3A_195 = tpu.memref_slice %arg10[%dma_start3A_193, %dma_start3A_194] : memref<16x64xi32, #tpu.memory_space<vmem>> -> memref<1x64xi32, #tpu.memory_space<vmem>>
    %dma_start3A_196 = tpu.memref_squeeze %dma_start3A_195 : memref<1x64xi32, #tpu.memory_space<vmem>> -> memref<64xi32, #tpu.memory_space<vmem>>
    %dma_start3A_197 = arith.constant 0 : i32
    %dma_start3A_198 = arith.constant 0 : i32
    %dma_start3A_199 = tpu.memref_slice %arg3[%dma_start3A_197, %dma_start3A_198] : memref<1000000x128xf32, #tpu.memory_space<hbm>> -> memref<1000000x128xf32, #tpu.memory_space<hbm>>
    tpu.enqueue_indirect_dma source(%dma_start3A_199 : memref<1000000x128xf32, #tpu.memory_space<hbm>>) target(%arg14 : memref<64x128xf32, #tpu.memory_space<vmem>>) offsets(%dma_start3A_196 : memref<64xi32, #tpu.memory_space<vmem>>) semaphore(%arg22 : memref<!tpu.dma_semaphore, #tpu.memory_space<semaphore_mem>>)
    %dma_wait3A_200 = arith.constant 0 : i32
    %dma_wait3A_201 = arith.constant 0 : i32
    %dma_wait3A_202 = tpu.memref_slice %arg3[%dma_wait3A_200, %dma_wait3A_201] : memref<1000000x128xf32, #tpu.memory_space<hbm>> -> memref<64x128xf32, #tpu.memory_space<hbm>>
    %dma_wait3A_203 = arith.constant 0 : i32
    %dma_wait3A_204 = arith.constant 0 : i32
    %dma_wait3A_205 = tpu.memref_slice %arg3[%dma_wait3A_203, %dma_wait3A_204] : memref<1000000x128xf32, #tpu.memory_space<hbm>> -> memref<64x128xf32, #tpu.memory_space<hbm>>
    tpu.wait_dma2 semaphore(%arg31 : memref<!tpu.dma_semaphore, #tpu.memory_space<semaphore_mem>>) src(%dma_wait3A_205 : memref<64x128xf32, #tpu.memory_space<hbm>>) dst(%arg15 : memref<64x128xf32, #tpu.memory_space<vmem>>)
    %dma_start3A_206 = arith.constant 11 : i32
    %dma_start3A_207 = arith.constant 0 : i32
    %dma_start3A_208 = tpu.memref_slice %arg10[%dma_start3A_206, %dma_start3A_207] : memref<16x64xi32, #tpu.memory_space<vmem>> -> memref<1x64xi32, #tpu.memory_space<vmem>>
    %dma_start3A_209 = tpu.memref_squeeze %dma_start3A_208 : memref<1x64xi32, #tpu.memory_space<vmem>> -> memref<64xi32, #tpu.memory_space<vmem>>
    %dma_start3A_210 = arith.constant 0 : i32
    %dma_start3A_211 = arith.constant 0 : i32
    %dma_start3A_212 = tpu.memref_slice %arg3[%dma_start3A_210, %dma_start3A_211] : memref<1000000x128xf32, #tpu.memory_space<hbm>> -> memref<1000000x128xf32, #tpu.memory_space<hbm>>
    tpu.enqueue_indirect_dma source(%dma_start3A_212 : memref<1000000x128xf32, #tpu.memory_space<hbm>>) target(%arg15 : memref<64x128xf32, #tpu.memory_space<vmem>>) offsets(%dma_start3A_209 : memref<64xi32, #tpu.memory_space<vmem>>) semaphore(%arg23 : memref<!tpu.dma_semaphore, #tpu.memory_space<semaphore_mem>>)
    %dma_wait3A_213 = arith.constant 0 : i32
    %dma_wait3A_214 = arith.constant 0 : i32
    %dma_wait3A_215 = tpu.memref_slice %arg3[%dma_wait3A_213, %dma_wait3A_214] : memref<1000000x128xf32, #tpu.memory_space<hbm>> -> memref<64x128xf32, #tpu.memory_space<hbm>>
    %dma_wait3A_216 = arith.constant 0 : i32
    %dma_wait3A_217 = arith.constant 0 : i32
    %dma_wait3A_218 = tpu.memref_slice %arg3[%dma_wait3A_216, %dma_wait3A_217] : memref<1000000x128xf32, #tpu.memory_space<hbm>> -> memref<64x128xf32, #tpu.memory_space<hbm>>
    tpu.wait_dma2 semaphore(%arg32 : memref<!tpu.dma_semaphore, #tpu.memory_space<semaphore_mem>>) src(%dma_wait3A_218 : memref<64x128xf32, #tpu.memory_space<hbm>>) dst(%arg16 : memref<64x128xf32, #tpu.memory_space<vmem>>)
    %dma_start3A_219 = arith.constant 12 : i32
    %dma_start3A_220 = arith.constant 0 : i32
    %dma_start3A_221 = tpu.memref_slice %arg10[%dma_start3A_219, %dma_start3A_220] : memref<16x64xi32, #tpu.memory_space<vmem>> -> memref<1x64xi32, #tpu.memory_space<vmem>>
    %dma_start3A_222 = tpu.memref_squeeze %dma_start3A_221 : memref<1x64xi32, #tpu.memory_space<vmem>> -> memref<64xi32, #tpu.memory_space<vmem>>
    %dma_start3A_223 = arith.constant 0 : i32
    %dma_start3A_224 = arith.constant 0 : i32
    %dma_start3A_225 = tpu.memref_slice %arg3[%dma_start3A_223, %dma_start3A_224] : memref<1000000x128xf32, #tpu.memory_space<hbm>> -> memref<1000000x128xf32, #tpu.memory_space<hbm>>
    tpu.enqueue_indirect_dma source(%dma_start3A_225 : memref<1000000x128xf32, #tpu.memory_space<hbm>>) target(%arg16 : memref<64x128xf32, #tpu.memory_space<vmem>>) offsets(%dma_start3A_222 : memref<64xi32, #tpu.memory_space<vmem>>) semaphore(%arg24 : memref<!tpu.dma_semaphore, #tpu.memory_space<semaphore_mem>>)
    %dma_wait3A_226 = arith.constant 0 : i32
    %dma_wait3A_227 = arith.constant 0 : i32
    %dma_wait3A_228 = tpu.memref_slice %arg3[%dma_wait3A_226, %dma_wait3A_227] : memref<1000000x128xf32, #tpu.memory_space<hbm>> -> memref<64x128xf32, #tpu.memory_space<hbm>>
    %dma_wait3A_229 = arith.constant 0 : i32
    %dma_wait3A_230 = arith.constant 0 : i32
    %dma_wait3A_231 = tpu.memref_slice %arg3[%dma_wait3A_229, %dma_wait3A_230] : memref<1000000x128xf32, #tpu.memory_space<hbm>> -> memref<64x128xf32, #tpu.memory_space<hbm>>
    tpu.wait_dma2 semaphore(%arg33 : memref<!tpu.dma_semaphore, #tpu.memory_space<semaphore_mem>>) src(%dma_wait3A_231 : memref<64x128xf32, #tpu.memory_space<hbm>>) dst(%arg17 : memref<64x128xf32, #tpu.memory_space<vmem>>)
    %dma_start3A_232 = arith.constant 13 : i32
    %dma_start3A_233 = arith.constant 0 : i32
    %dma_start3A_234 = tpu.memref_slice %arg10[%dma_start3A_232, %dma_start3A_233] : memref<16x64xi32, #tpu.memory_space<vmem>> -> memref<1x64xi32, #tpu.memory_space<vmem>>
    %dma_start3A_235 = tpu.memref_squeeze %dma_start3A_234 : memref<1x64xi32, #tpu.memory_space<vmem>> -> memref<64xi32, #tpu.memory_space<vmem>>
    %dma_start3A_236 = arith.constant 0 : i32
    %dma_start3A_237 = arith.constant 0 : i32
    %dma_start3A_238 = tpu.memref_slice %arg3[%dma_start3A_236, %dma_start3A_237] : memref<1000000x128xf32, #tpu.memory_space<hbm>> -> memref<1000000x128xf32, #tpu.memory_space<hbm>>
    tpu.enqueue_indirect_dma source(%dma_start3A_238 : memref<1000000x128xf32, #tpu.memory_space<hbm>>) target(%arg17 : memref<64x128xf32, #tpu.memory_space<vmem>>) offsets(%dma_start3A_235 : memref<64xi32, #tpu.memory_space<vmem>>) semaphore(%arg25 : memref<!tpu.dma_semaphore, #tpu.memory_space<semaphore_mem>>)
    %dma_wait3A_239 = arith.constant 0 : i32
    %dma_wait3A_240 = arith.constant 0 : i32
    %dma_wait3A_241 = tpu.memref_slice %arg3[%dma_wait3A_239, %dma_wait3A_240] : memref<1000000x128xf32, #tpu.memory_space<hbm>> -> memref<64x128xf32, #tpu.memory_space<hbm>>
    %dma_wait3A_242 = arith.constant 0 : i32
    %dma_wait3A_243 = arith.constant 0 : i32
    %dma_wait3A_244 = tpu.memref_slice %arg3[%dma_wait3A_242, %dma_wait3A_243] : memref<1000000x128xf32, #tpu.memory_space<hbm>> -> memref<64x128xf32, #tpu.memory_space<hbm>>
    tpu.wait_dma2 semaphore(%arg34 : memref<!tpu.dma_semaphore, #tpu.memory_space<semaphore_mem>>) src(%dma_wait3A_244 : memref<64x128xf32, #tpu.memory_space<hbm>>) dst(%arg18 : memref<64x128xf32, #tpu.memory_space<vmem>>)
    %dma_start3A_245 = arith.constant 14 : i32
    %dma_start3A_246 = arith.constant 0 : i32
    %dma_start3A_247 = tpu.memref_slice %arg10[%dma_start3A_245, %dma_start3A_246] : memref<16x64xi32, #tpu.memory_space<vmem>> -> memref<1x64xi32, #tpu.memory_space<vmem>>
    %dma_start3A_248 = tpu.memref_squeeze %dma_start3A_247 : memref<1x64xi32, #tpu.memory_space<vmem>> -> memref<64xi32, #tpu.memory_space<vmem>>
    %dma_start3A_249 = arith.constant 0 : i32
    %dma_start3A_250 = arith.constant 0 : i32
    %dma_start3A_251 = tpu.memref_slice %arg3[%dma_start3A_249, %dma_start3A_250] : memref<1000000x128xf32, #tpu.memory_space<hbm>> -> memref<1000000x128xf32, #tpu.memory_space<hbm>>
    tpu.enqueue_indirect_dma source(%dma_start3A_251 : memref<1000000x128xf32, #tpu.memory_space<hbm>>) target(%arg18 : memref<64x128xf32, #tpu.memory_space<vmem>>) offsets(%dma_start3A_248 : memref<64xi32, #tpu.memory_space<vmem>>) semaphore(%arg26 : memref<!tpu.dma_semaphore, #tpu.memory_space<semaphore_mem>>)
    %dma_wait3A_252 = arith.constant 0 : i32
    %dma_wait3A_253 = arith.constant 0 : i32
    %dma_wait3A_254 = tpu.memref_slice %arg3[%dma_wait3A_252, %dma_wait3A_253] : memref<1000000x128xf32, #tpu.memory_space<hbm>> -> memref<64x128xf32, #tpu.memory_space<hbm>>
    %dma_wait3A_255 = arith.constant 0 : i32
    %dma_wait3A_256 = arith.constant 0 : i32
    %dma_wait3A_257 = tpu.memref_slice %arg3[%dma_wait3A_255, %dma_wait3A_256] : memref<1000000x128xf32, #tpu.memory_space<hbm>> -> memref<64x128xf32, #tpu.memory_space<hbm>>
    tpu.wait_dma2 semaphore(%arg35 : memref<!tpu.dma_semaphore, #tpu.memory_space<semaphore_mem>>) src(%dma_wait3A_257 : memref<64x128xf32, #tpu.memory_space<hbm>>) dst(%arg19 : memref<64x128xf32, #tpu.memory_space<vmem>>)
    %dma_start3A_258 = arith.constant 15 : i32
    %dma_start3A_259 = arith.constant 0 : i32
    %dma_start3A_260 = tpu.memref_slice %arg10[%dma_start3A_258, %dma_start3A_259] : memref<16x64xi32, #tpu.memory_space<vmem>> -> memref<1x64xi32, #tpu.memory_space<vmem>>
    %dma_start3A_261 = tpu.memref_squeeze %dma_start3A_260 : memref<1x64xi32, #tpu.memory_space<vmem>> -> memref<64xi32, #tpu.memory_space<vmem>>
    %dma_start3A_262 = arith.constant 0 : i32
    %dma_start3A_263 = arith.constant 0 : i32
    %dma_start3A_264 = tpu.memref_slice %arg3[%dma_start3A_262, %dma_start3A_263] : memref<1000000x128xf32, #tpu.memory_space<hbm>> -> memref<1000000x128xf32, #tpu.memory_space<hbm>>
    tpu.enqueue_indirect_dma source(%dma_start3A_264 : memref<1000000x128xf32, #tpu.memory_space<hbm>>) target(%arg19 : memref<64x128xf32, #tpu.memory_space<vmem>>) offsets(%dma_start3A_261 : memref<64xi32, #tpu.memory_space<vmem>>) semaphore(%arg27 : memref<!tpu.dma_semaphore, #tpu.memory_space<semaphore_mem>>)
    %dma_wait3A_265 = arith.constant 8 : i32
    %dma_wait3A_266 = arith.constant 0 : i32
    %dma_wait3A_267 = tpu.memref_slice %arg10[%dma_wait3A_265, %dma_wait3A_266] : memref<16x64xi32, #tpu.memory_space<vmem>> -> memref<1x64xi32, #tpu.memory_space<vmem>>
    %dma_wait3A_268 = tpu.memref_squeeze %dma_wait3A_267 : memref<1x64xi32, #tpu.memory_space<vmem>> -> memref<64xi32, #tpu.memory_space<vmem>>
    %dma_wait3A_269 = arith.constant 0 : i32
    %dma_wait3A_270 = arith.constant 0 : i32
    %dma_wait3A_271 = tpu.memref_slice %arg3[%dma_wait3A_269, %dma_wait3A_270] : memref<1000000x128xf32, #tpu.memory_space<hbm>> -> memref<1000000x128xf32, #tpu.memory_space<hbm>>
    tpu.wait_indirect_dma semaphore(%arg20 : memref<!tpu.dma_semaphore, #tpu.memory_space<semaphore_mem>>) src(%dma_wait3A_271 : memref<1000000x128xf32, #tpu.memory_space<hbm>>) dst(%arg12 : memref<64x128xf32, #tpu.memory_space<vmem>>)
    %add3A_272 = arith.constant 0 : i32
    %add3A_273 = arith.addi %mul3A_2, %add3A_272 : i32
    %dma_start3A_274 = arith.constant 0 : i32
    %dma_start3A_275 = tpu.memref_slice %arg8[%add3A_273, %dma_start3A_274] : memref<16384x128xf32, #tpu.memory_space<hbm>> -> memref<64x128xf32, #tpu.memory_space<hbm>>
    %dma_start3A_276 = arith.constant 0 : i32
    %dma_start3A_277 = tpu.memref_slice %arg8[%add3A_273, %dma_start3A_276] : memref<16384x128xf32, #tpu.memory_space<hbm>> -> memref<64x128xf32, #tpu.memory_space<hbm>>
    tpu.enqueue_dma source(%arg12 : memref<64x128xf32, #tpu.memory_space<vmem>>) target(%dma_start3A_277 : memref<64x128xf32, #tpu.memory_space<hbm>>) target_semaphore(%arg28 : memref<!tpu.dma_semaphore, #tpu.memory_space<semaphore_mem>>)
    %dma_wait3A_278 = arith.constant 9 : i32
    %dma_wait3A_279 = arith.constant 0 : i32
    %dma_wait3A_280 = tpu.memref_slice %arg10[%dma_wait3A_278, %dma_wait3A_279] : memref<16x64xi32, #tpu.memory_space<vmem>> -> memref<1x64xi32, #tpu.memory_space<vmem>>
    %dma_wait3A_281 = tpu.memref_squeeze %dma_wait3A_280 : memref<1x64xi32, #tpu.memory_space<vmem>> -> memref<64xi32, #tpu.memory_space<vmem>>
    %dma_wait3A_282 = arith.constant 0 : i32
    %dma_wait3A_283 = arith.constant 0 : i32
    %dma_wait3A_284 = tpu.memref_slice %arg3[%dma_wait3A_282, %dma_wait3A_283] : memref<1000000x128xf32, #tpu.memory_space<hbm>> -> memref<1000000x128xf32, #tpu.memory_space<hbm>>
    tpu.wait_indirect_dma semaphore(%arg21 : memref<!tpu.dma_semaphore, #tpu.memory_space<semaphore_mem>>) src(%dma_wait3A_284 : memref<1000000x128xf32, #tpu.memory_space<hbm>>) dst(%arg13 : memref<64x128xf32, #tpu.memory_space<vmem>>)
    %add3A_285 = arith.constant 64 : i32
    %add3A_286 = arith.addi %mul3A_2, %add3A_285 : i32
    %dma_start3A_287 = arith.constant 0 : i32
    %dma_start3A_288 = tpu.memref_slice %arg8[%add3A_286, %dma_start3A_287] : memref<16384x128xf32, #tpu.memory_space<hbm>> -> memref<64x128xf32, #tpu.memory_space<hbm>>
    %dma_start3A_289 = arith.constant 0 : i32
    %dma_start3A_290 = tpu.memref_slice %arg8[%add3A_286, %dma_start3A_289] : memref<16384x128xf32, #tpu.memory_space<hbm>> -> memref<64x128xf32, #tpu.memory_space<hbm>>
    tpu.enqueue_dma source(%arg13 : memref<64x128xf32, #tpu.memory_space<vmem>>) target(%dma_start3A_290 : memref<64x128xf32, #tpu.memory_space<hbm>>) target_semaphore(%arg29 : memref<!tpu.dma_semaphore, #tpu.memory_space<semaphore_mem>>)
    %dma_wait3A_291 = arith.constant 10 : i32
    %dma_wait3A_292 = arith.constant 0 : i32
    %dma_wait3A_293 = tpu.memref_slice %arg10[%dma_wait3A_291, %dma_wait3A_292] : memref<16x64xi32, #tpu.memory_space<vmem>> -> memref<1x64xi32, #tpu.memory_space<vmem>>
    %dma_wait3A_294 = tpu.memref_squeeze %dma_wait3A_293 : memref<1x64xi32, #tpu.memory_space<vmem>> -> memref<64xi32, #tpu.memory_space<vmem>>
    %dma_wait3A_295 = arith.constant 0 : i32
    %dma_wait3A_296 = arith.constant 0 : i32
    %dma_wait3A_297 = tpu.memref_slice %arg3[%dma_wait3A_295, %dma_wait3A_296] : memref<1000000x128xf32, #tpu.memory_space<hbm>> -> memref<1000000x128xf32, #tpu.memory_space<hbm>>
    tpu.wait_indirect_dma semaphore(%arg22 : memref<!tpu.dma_semaphore, #tpu.memory_space<semaphore_mem>>) src(%dma_wait3A_297 : memref<1000000x128xf32, #tpu.memory_space<hbm>>) dst(%arg14 : memref<64x128xf32, #tpu.memory_space<vmem>>)
    %add3A_298 = arith.constant 128 : i32
    %add3A_299 = arith.addi %mul3A_2, %add3A_298 : i32
    %dma_start3A_300 = arith.constant 0 : i32
    %dma_start3A_301 = tpu.memref_slice %arg8[%add3A_299, %dma_start3A_300] : memref<16384x128xf32, #tpu.memory_space<hbm>> -> memref<64x128xf32, #tpu.memory_space<hbm>>
    %dma_start3A_302 = arith.constant 0 : i32
    %dma_start3A_303 = tpu.memref_slice %arg8[%add3A_299, %dma_start3A_302] : memref<16384x128xf32, #tpu.memory_space<hbm>> -> memref<64x128xf32, #tpu.memory_space<hbm>>
    tpu.enqueue_dma source(%arg14 : memref<64x128xf32, #tpu.memory_space<vmem>>) target(%dma_start3A_303 : memref<64x128xf32, #tpu.memory_space<hbm>>) target_semaphore(%arg30 : memref<!tpu.dma_semaphore, #tpu.memory_space<semaphore_mem>>)
    %dma_wait3A_304 = arith.constant 11 : i32
    %dma_wait3A_305 = arith.constant 0 : i32
    %dma_wait3A_306 = tpu.memref_slice %arg10[%dma_wait3A_304, %dma_wait3A_305] : memref<16x64xi32, #tpu.memory_space<vmem>> -> memref<1x64xi32, #tpu.memory_space<vmem>>
    %dma_wait3A_307 = tpu.memref_squeeze %dma_wait3A_306 : memref<1x64xi32, #tpu.memory_space<vmem>> -> memref<64xi32, #tpu.memory_space<vmem>>
    %dma_wait3A_308 = arith.constant 0 : i32
    %dma_wait3A_309 = arith.constant 0 : i32
    %dma_wait3A_310 = tpu.memref_slice %arg3[%dma_wait3A_308, %dma_wait3A_309] : memref<1000000x128xf32, #tpu.memory_space<hbm>> -> memref<1000000x128xf32, #tpu.memory_space<hbm>>
    tpu.wait_indirect_dma semaphore(%arg23 : memref<!tpu.dma_semaphore, #tpu.memory_space<semaphore_mem>>) src(%dma_wait3A_310 : memref<1000000x128xf32, #tpu.memory_space<hbm>>) dst(%arg15 : memref<64x128xf32, #tpu.memory_space<vmem>>)
    %add3A_311 = arith.constant 192 : i32
    %add3A_312 = arith.addi %mul3A_2, %add3A_311 : i32
    %dma_start3A_313 = arith.constant 0 : i32
    %dma_start3A_314 = tpu.memref_slice %arg8[%add3A_312, %dma_start3A_313] : memref<16384x128xf32, #tpu.memory_space<hbm>> -> memref<64x128xf32, #tpu.memory_space<hbm>>
    %dma_start3A_315 = arith.constant 0 : i32
    %dma_start3A_316 = tpu.memref_slice %arg8[%add3A_312, %dma_start3A_315] : memref<16384x128xf32, #tpu.memory_space<hbm>> -> memref<64x128xf32, #tpu.memory_space<hbm>>
    tpu.enqueue_dma source(%arg15 : memref<64x128xf32, #tpu.memory_space<vmem>>) target(%dma_start3A_316 : memref<64x128xf32, #tpu.memory_space<hbm>>) target_semaphore(%arg31 : memref<!tpu.dma_semaphore, #tpu.memory_space<semaphore_mem>>)
    %dma_wait3A_317 = arith.constant 12 : i32
    %dma_wait3A_318 = arith.constant 0 : i32
    %dma_wait3A_319 = tpu.memref_slice %arg10[%dma_wait3A_317, %dma_wait3A_318] : memref<16x64xi32, #tpu.memory_space<vmem>> -> memref<1x64xi32, #tpu.memory_space<vmem>>
    %dma_wait3A_320 = tpu.memref_squeeze %dma_wait3A_319 : memref<1x64xi32, #tpu.memory_space<vmem>> -> memref<64xi32, #tpu.memory_space<vmem>>
    %dma_wait3A_321 = arith.constant 0 : i32
    %dma_wait3A_322 = arith.constant 0 : i32
    %dma_wait3A_323 = tpu.memref_slice %arg3[%dma_wait3A_321, %dma_wait3A_322] : memref<1000000x128xf32, #tpu.memory_space<hbm>> -> memref<1000000x128xf32, #tpu.memory_space<hbm>>
    tpu.wait_indirect_dma semaphore(%arg24 : memref<!tpu.dma_semaphore, #tpu.memory_space<semaphore_mem>>) src(%dma_wait3A_323 : memref<1000000x128xf32, #tpu.memory_space<hbm>>) dst(%arg16 : memref<64x128xf32, #tpu.memory_space<vmem>>)
    %add3A_324 = arith.constant 256 : i32
    %add3A_325 = arith.addi %mul3A_2, %add3A_324 : i32
    %dma_start3A_326 = arith.constant 0 : i32
    %dma_start3A_327 = tpu.memref_slice %arg8[%add3A_325, %dma_start3A_326] : memref<16384x128xf32, #tpu.memory_space<hbm>> -> memref<64x128xf32, #tpu.memory_space<hbm>>
    %dma_start3A_328 = arith.constant 0 : i32
    %dma_start3A_329 = tpu.memref_slice %arg8[%add3A_325, %dma_start3A_328] : memref<16384x128xf32, #tpu.memory_space<hbm>> -> memref<64x128xf32, #tpu.memory_space<hbm>>
    tpu.enqueue_dma source(%arg16 : memref<64x128xf32, #tpu.memory_space<vmem>>) target(%dma_start3A_329 : memref<64x128xf32, #tpu.memory_space<hbm>>) target_semaphore(%arg32 : memref<!tpu.dma_semaphore, #tpu.memory_space<semaphore_mem>>)
    %dma_wait3A_330 = arith.constant 13 : i32
    %dma_wait3A_331 = arith.constant 0 : i32
    %dma_wait3A_332 = tpu.memref_slice %arg10[%dma_wait3A_330, %dma_wait3A_331] : memref<16x64xi32, #tpu.memory_space<vmem>> -> memref<1x64xi32, #tpu.memory_space<vmem>>
    %dma_wait3A_333 = tpu.memref_squeeze %dma_wait3A_332 : memref<1x64xi32, #tpu.memory_space<vmem>> -> memref<64xi32, #tpu.memory_space<vmem>>
    %dma_wait3A_334 = arith.constant 0 : i32
    %dma_wait3A_335 = arith.constant 0 : i32
    %dma_wait3A_336 = tpu.memref_slice %arg3[%dma_wait3A_334, %dma_wait3A_335] : memref<1000000x128xf32, #tpu.memory_space<hbm>> -> memref<1000000x128xf32, #tpu.memory_space<hbm>>
    tpu.wait_indirect_dma semaphore(%arg25 : memref<!tpu.dma_semaphore, #tpu.memory_space<semaphore_mem>>) src(%dma_wait3A_336 : memref<1000000x128xf32, #tpu.memory_space<hbm>>) dst(%arg17 : memref<64x128xf32, #tpu.memory_space<vmem>>)
    %add3A_337 = arith.constant 320 : i32
    %add3A_338 = arith.addi %mul3A_2, %add3A_337 : i32
    %dma_start3A_339 = arith.constant 0 : i32
    %dma_start3A_340 = tpu.memref_slice %arg8[%add3A_338, %dma_start3A_339] : memref<16384x128xf32, #tpu.memory_space<hbm>> -> memref<64x128xf32, #tpu.memory_space<hbm>>
    %dma_start3A_341 = arith.constant 0 : i32
    %dma_start3A_342 = tpu.memref_slice %arg8[%add3A_338, %dma_start3A_341] : memref<16384x128xf32, #tpu.memory_space<hbm>> -> memref<64x128xf32, #tpu.memory_space<hbm>>
    tpu.enqueue_dma source(%arg17 : memref<64x128xf32, #tpu.memory_space<vmem>>) target(%dma_start3A_342 : memref<64x128xf32, #tpu.memory_space<hbm>>) target_semaphore(%arg33 : memref<!tpu.dma_semaphore, #tpu.memory_space<semaphore_mem>>)
    %dma_wait3A_343 = arith.constant 14 : i32
    %dma_wait3A_344 = arith.constant 0 : i32
    %dma_wait3A_345 = tpu.memref_slice %arg10[%dma_wait3A_343, %dma_wait3A_344] : memref<16x64xi32, #tpu.memory_space<vmem>> -> memref<1x64xi32, #tpu.memory_space<vmem>>
    %dma_wait3A_346 = tpu.memref_squeeze %dma_wait3A_345 : memref<1x64xi32, #tpu.memory_space<vmem>> -> memref<64xi32, #tpu.memory_space<vmem>>
    %dma_wait3A_347 = arith.constant 0 : i32
    %dma_wait3A_348 = arith.constant 0 : i32
    %dma_wait3A_349 = tpu.memref_slice %arg3[%dma_wait3A_347, %dma_wait3A_348] : memref<1000000x128xf32, #tpu.memory_space<hbm>> -> memref<1000000x128xf32, #tpu.memory_space<hbm>>
    tpu.wait_indirect_dma semaphore(%arg26 : memref<!tpu.dma_semaphore, #tpu.memory_space<semaphore_mem>>) src(%dma_wait3A_349 : memref<1000000x128xf32, #tpu.memory_space<hbm>>) dst(%arg18 : memref<64x128xf32, #tpu.memory_space<vmem>>)
    %add3A_350 = arith.constant 384 : i32
    %add3A_351 = arith.addi %mul3A_2, %add3A_350 : i32
    %dma_start3A_352 = arith.constant 0 : i32
    %dma_start3A_353 = tpu.memref_slice %arg8[%add3A_351, %dma_start3A_352] : memref<16384x128xf32, #tpu.memory_space<hbm>> -> memref<64x128xf32, #tpu.memory_space<hbm>>
    %dma_start3A_354 = arith.constant 0 : i32
    %dma_start3A_355 = tpu.memref_slice %arg8[%add3A_351, %dma_start3A_354] : memref<16384x128xf32, #tpu.memory_space<hbm>> -> memref<64x128xf32, #tpu.memory_space<hbm>>
    tpu.enqueue_dma source(%arg18 : memref<64x128xf32, #tpu.memory_space<vmem>>) target(%dma_start3A_355 : memref<64x128xf32, #tpu.memory_space<hbm>>) target_semaphore(%arg34 : memref<!tpu.dma_semaphore, #tpu.memory_space<semaphore_mem>>)
    %dma_wait3A_356 = arith.constant 15 : i32
    %dma_wait3A_357 = arith.constant 0 : i32
    %dma_wait3A_358 = tpu.memref_slice %arg10[%dma_wait3A_356, %dma_wait3A_357] : memref<16x64xi32, #tpu.memory_space<vmem>> -> memref<1x64xi32, #tpu.memory_space<vmem>>
    %dma_wait3A_359 = tpu.memref_squeeze %dma_wait3A_358 : memref<1x64xi32, #tpu.memory_space<vmem>> -> memref<64xi32, #tpu.memory_space<vmem>>
    %dma_wait3A_360 = arith.constant 0 : i32
    %dma_wait3A_361 = arith.constant 0 : i32
    %dma_wait3A_362 = tpu.memref_slice %arg3[%dma_wait3A_360, %dma_wait3A_361] : memref<1000000x128xf32, #tpu.memory_space<hbm>> -> memref<1000000x128xf32, #tpu.memory_space<hbm>>
    tpu.wait_indirect_dma semaphore(%arg27 : memref<!tpu.dma_semaphore, #tpu.memory_space<semaphore_mem>>) src(%dma_wait3A_362 : memref<1000000x128xf32, #tpu.memory_space<hbm>>) dst(%arg19 : memref<64x128xf32, #tpu.memory_space<vmem>>)
    %add3A_363 = arith.constant 448 : i32
    %add3A_364 = arith.addi %mul3A_2, %add3A_363 : i32
    %dma_start3A_365 = arith.constant 0 : i32
    %dma_start3A_366 = tpu.memref_slice %arg8[%add3A_364, %dma_start3A_365] : memref<16384x128xf32, #tpu.memory_space<hbm>> -> memref<64x128xf32, #tpu.memory_space<hbm>>
    %dma_start3A_367 = arith.constant 0 : i32
    %dma_start3A_368 = tpu.memref_slice %arg8[%add3A_364, %dma_start3A_367] : memref<16384x128xf32, #tpu.memory_space<hbm>> -> memref<64x128xf32, #tpu.memory_space<hbm>>
    tpu.enqueue_dma source(%arg19 : memref<64x128xf32, #tpu.memory_space<vmem>>) target(%dma_start3A_368 : memref<64x128xf32, #tpu.memory_space<hbm>>) target_semaphore(%arg35 : memref<!tpu.dma_semaphore, #tpu.memory_space<semaphore_mem>>)
    %scan3A = arith.constant 0 : i32
    %scan3A_369 = arith.constant 20 : i32
    %scan3A_370 = arith.addi %scan3A, %scan3A_369 : i32
    %scan3A_371 = arith.constant 1 : i32
    scf.for %scan3A_421 = %scan3A to %scan3A_370 step %scan3A_371  : i32 {
      %mul3A_422 = arith.constant 8 : i32
      %mul3A_423 = arith.muli %scan3A_421, %mul3A_422 : i32
      %add3A_424 = arith.constant 0 : i32
      %add3A_425 = arith.addi %add3A_424, %mul3A_423 : i32
      %jit3A = arith.constant 8 : i32
      %div3A = arith.divsi %add3A_425, %jit3A : i32
      %sign3A = arith.constant 0 : i32
      %sign3A_426 = arith.cmpi sgt, %add3A_425, %sign3A : i32
      %sign3A_427 = arith.extui %sign3A_426 : i1 to i32
      %sign3A_428 = arith.constant 0 : i32
      %sign3A_429 = arith.cmpi slt, %add3A_425, %sign3A_428 : i32
      %sign3A_430 = arith.extui %sign3A_429 : i1 to i32
      %sign3A_431 = arith.subi %sign3A_427, %sign3A_430 : i32
      %sign3A_432 = arith.constant 0 : i32
      %sign3A_433 = arith.cmpi sgt, %jit3A, %sign3A_432 : i32
      %sign3A_434 = arith.extui %sign3A_433 : i1 to i32
      %sign3A_435 = arith.constant 0 : i32
      %sign3A_436 = arith.cmpi slt, %jit3A, %sign3A_435 : i32
      %sign3A_437 = arith.extui %sign3A_436 : i1 to i32
      %sign3A_438 = arith.subi %sign3A_434, %sign3A_437 : i32
      %ne3A = arith.cmpi ne, %sign3A_431, %sign3A_438 : i32
      %rem3A = arith.remsi %add3A_425, %jit3A : i32
      %ne3A_439 = arith.constant 0 : i32
      %ne3A_440 = arith.cmpi ne, %rem3A, %ne3A_439 : i32
      %and3A = arith.andi %ne3A, %ne3A_440 : i1
      %sub3A = arith.constant 1 : i32
      %sub3A_441 = arith.subi %div3A, %sub3A : i32
      %select_n3A = arith.select %and3A, %sub3A_441, %div3A : i32
      %dma_wait3A_442 = arith.constant 0 : i32
      %dma_wait3A_443 = arith.constant 0 : i32
      %dma_wait3A_444 = tpu.memref_slice %arg3[%dma_wait3A_442, %dma_wait3A_443] : memref<1000000x128xf32, #tpu.memory_space<hbm>> -> memref<64x128xf32, #tpu.memory_space<hbm>>
      %dma_wait3A_445 = arith.constant 0 : i32
      %dma_wait3A_446 = arith.constant 0 : i32
      %dma_wait3A_447 = tpu.memref_slice %arg3[%dma_wait3A_445, %dma_wait3A_446] : memref<1000000x128xf32, #tpu.memory_space<hbm>> -> memref<64x128xf32, #tpu.memory_space<hbm>>
      tpu.wait_dma2 semaphore(%arg28 : memref<!tpu.dma_semaphore, #tpu.memory_space<semaphore_mem>>) src(%dma_wait3A_447 : memref<64x128xf32, #tpu.memory_space<hbm>>) dst(%arg12 : memref<64x128xf32, #tpu.memory_space<vmem>>)
      %dma_start3A_448 = arith.constant 0 : i32
      %dma_start3A_449 = tpu.memref_slice %arg11[%select_n3A, %dma_start3A_448] : memref<20x512xi32, #tpu.memory_space<vmem>> -> memref<1x64xi32, #tpu.memory_space<vmem>>
      %dma_start3A_450 = tpu.memref_squeeze %dma_start3A_449 : memref<1x64xi32, #tpu.memory_space<vmem>> -> memref<64xi32, #tpu.memory_space<vmem>>
      %dma_start3A_451 = arith.constant 0 : i32
      %dma_start3A_452 = arith.constant 0 : i32
      %dma_start3A_453 = tpu.memref_slice %arg3[%dma_start3A_451, %dma_start3A_452] : memref<1000000x128xf32, #tpu.memory_space<hbm>> -> memref<1000000x128xf32, #tpu.memory_space<hbm>>
      tpu.enqueue_indirect_dma source(%dma_start3A_453 : memref<1000000x128xf32, #tpu.memory_space<hbm>>) target(%arg12 : memref<64x128xf32, #tpu.memory_space<vmem>>) offsets(%dma_start3A_450 : memref<64xi32, #tpu.memory_space<vmem>>) semaphore(%arg20 : memref<!tpu.dma_semaphore, #tpu.memory_space<semaphore_mem>>)
      %dma_wait3A_454 = arith.constant 0 : i32
      %dma_wait3A_455 = arith.constant 0 : i32
      %dma_wait3A_456 = tpu.memref_slice %arg3[%dma_wait3A_454, %dma_wait3A_455] : memref<1000000x128xf32, #tpu.memory_space<hbm>> -> memref<64x128xf32, #tpu.memory_space<hbm>>
      %dma_wait3A_457 = arith.constant 0 : i32
      %dma_wait3A_458 = arith.constant 0 : i32
      %dma_wait3A_459 = tpu.memref_slice %arg3[%dma_wait3A_457, %dma_wait3A_458] : memref<1000000x128xf32, #tpu.memory_space<hbm>> -> memref<64x128xf32, #tpu.memory_space<hbm>>
      tpu.wait_dma2 semaphore(%arg29 : memref<!tpu.dma_semaphore, #tpu.memory_space<semaphore_mem>>) src(%dma_wait3A_459 : memref<64x128xf32, #tpu.memory_space<hbm>>) dst(%arg13 : memref<64x128xf32, #tpu.memory_space<vmem>>)
      %dma_start3A_460 = arith.constant 64 : i32
      %dma_start3A_461 = tpu.memref_slice %arg11[%select_n3A, %dma_start3A_460] : memref<20x512xi32, #tpu.memory_space<vmem>> -> memref<1x64xi32, #tpu.memory_space<vmem>>
      %dma_start3A_462 = tpu.memref_squeeze %dma_start3A_461 : memref<1x64xi32, #tpu.memory_space<vmem>> -> memref<64xi32, #tpu.memory_space<vmem>>
      %dma_start3A_463 = arith.constant 0 : i32
      %dma_start3A_464 = arith.constant 0 : i32
      %dma_start3A_465 = tpu.memref_slice %arg3[%dma_start3A_463, %dma_start3A_464] : memref<1000000x128xf32, #tpu.memory_space<hbm>> -> memref<1000000x128xf32, #tpu.memory_space<hbm>>
      tpu.enqueue_indirect_dma source(%dma_start3A_465 : memref<1000000x128xf32, #tpu.memory_space<hbm>>) target(%arg13 : memref<64x128xf32, #tpu.memory_space<vmem>>) offsets(%dma_start3A_462 : memref<64xi32, #tpu.memory_space<vmem>>) semaphore(%arg21 : memref<!tpu.dma_semaphore, #tpu.memory_space<semaphore_mem>>)
      %dma_wait3A_466 = arith.constant 0 : i32
      %dma_wait3A_467 = arith.constant 0 : i32
      %dma_wait3A_468 = tpu.memref_slice %arg3[%dma_wait3A_466, %dma_wait3A_467] : memref<1000000x128xf32, #tpu.memory_space<hbm>> -> memref<64x128xf32, #tpu.memory_space<hbm>>
      %dma_wait3A_469 = arith.constant 0 : i32
      %dma_wait3A_470 = arith.constant 0 : i32
      %dma_wait3A_471 = tpu.memref_slice %arg3[%dma_wait3A_469, %dma_wait3A_470] : memref<1000000x128xf32, #tpu.memory_space<hbm>> -> memref<64x128xf32, #tpu.memory_space<hbm>>
      tpu.wait_dma2 semaphore(%arg30 : memref<!tpu.dma_semaphore, #tpu.memory_space<semaphore_mem>>) src(%dma_wait3A_471 : memref<64x128xf32, #tpu.memory_space<hbm>>) dst(%arg14 : memref<64x128xf32, #tpu.memory_space<vmem>>)
      %dma_start3A_472 = arith.constant 128 : i32
      %dma_start3A_473 = tpu.memref_slice %arg11[%select_n3A, %dma_start3A_472] : memref<20x512xi32, #tpu.memory_space<vmem>> -> memref<1x64xi32, #tpu.memory_space<vmem>>
      %dma_start3A_474 = tpu.memref_squeeze %dma_start3A_473 : memref<1x64xi32, #tpu.memory_space<vmem>> -> memref<64xi32, #tpu.memory_space<vmem>>
      %dma_start3A_475 = arith.constant 0 : i32
      %dma_start3A_476 = arith.constant 0 : i32
      %dma_start3A_477 = tpu.memref_slice %arg3[%dma_start3A_475, %dma_start3A_476] : memref<1000000x128xf32, #tpu.memory_space<hbm>> -> memref<1000000x128xf32, #tpu.memory_space<hbm>>
      tpu.enqueue_indirect_dma source(%dma_start3A_477 : memref<1000000x128xf32, #tpu.memory_space<hbm>>) target(%arg14 : memref<64x128xf32, #tpu.memory_space<vmem>>) offsets(%dma_start3A_474 : memref<64xi32, #tpu.memory_space<vmem>>) semaphore(%arg22 : memref<!tpu.dma_semaphore, #tpu.memory_space<semaphore_mem>>)
      %dma_wait3A_478 = arith.constant 0 : i32
      %dma_wait3A_479 = arith.constant 0 : i32
      %dma_wait3A_480 = tpu.memref_slice %arg3[%dma_wait3A_478, %dma_wait3A_479] : memref<1000000x128xf32, #tpu.memory_space<hbm>> -> memref<64x128xf32, #tpu.memory_space<hbm>>
      %dma_wait3A_481 = arith.constant 0 : i32
      %dma_wait3A_482 = arith.constant 0 : i32
      %dma_wait3A_483 = tpu.memref_slice %arg3[%dma_wait3A_481, %dma_wait3A_482] : memref<1000000x128xf32, #tpu.memory_space<hbm>> -> memref<64x128xf32, #tpu.memory_space<hbm>>
      tpu.wait_dma2 semaphore(%arg31 : memref<!tpu.dma_semaphore, #tpu.memory_space<semaphore_mem>>) src(%dma_wait3A_483 : memref<64x128xf32, #tpu.memory_space<hbm>>) dst(%arg15 : memref<64x128xf32, #tpu.memory_space<vmem>>)
      %dma_start3A_484 = arith.constant 192 : i32
      %dma_start3A_485 = tpu.memref_slice %arg11[%select_n3A, %dma_start3A_484] : memref<20x512xi32, #tpu.memory_space<vmem>> -> memref<1x64xi32, #tpu.memory_space<vmem>>
      %dma_start3A_486 = tpu.memref_squeeze %dma_start3A_485 : memref<1x64xi32, #tpu.memory_space<vmem>> -> memref<64xi32, #tpu.memory_space<vmem>>
      %dma_start3A_487 = arith.constant 0 : i32
      %dma_start3A_488 = arith.constant 0 : i32
      %dma_start3A_489 = tpu.memref_slice %arg3[%dma_start3A_487, %dma_start3A_488] : memref<1000000x128xf32, #tpu.memory_space<hbm>> -> memref<1000000x128xf32, #tpu.memory_space<hbm>>
      tpu.enqueue_indirect_dma source(%dma_start3A_489 : memref<1000000x128xf32, #tpu.memory_space<hbm>>) target(%arg15 : memref<64x128xf32, #tpu.memory_space<vmem>>) offsets(%dma_start3A_486 : memref<64xi32, #tpu.memory_space<vmem>>) semaphore(%arg23 : memref<!tpu.dma_semaphore, #tpu.memory_space<semaphore_mem>>)
      %dma_wait3A_490 = arith.constant 0 : i32
      %dma_wait3A_491 = arith.constant 0 : i32
      %dma_wait3A_492 = tpu.memref_slice %arg3[%dma_wait3A_490, %dma_wait3A_491] : memref<1000000x128xf32, #tpu.memory_space<hbm>> -> memref<64x128xf32, #tpu.memory_space<hbm>>
      %dma_wait3A_493 = arith.constant 0 : i32
      %dma_wait3A_494 = arith.constant 0 : i32
      %dma_wait3A_495 = tpu.memref_slice %arg3[%dma_wait3A_493, %dma_wait3A_494] : memref<1000000x128xf32, #tpu.memory_space<hbm>> -> memref<64x128xf32, #tpu.memory_space<hbm>>
      tpu.wait_dma2 semaphore(%arg32 : memref<!tpu.dma_semaphore, #tpu.memory_space<semaphore_mem>>) src(%dma_wait3A_495 : memref<64x128xf32, #tpu.memory_space<hbm>>) dst(%arg16 : memref<64x128xf32, #tpu.memory_space<vmem>>)
      %dma_start3A_496 = arith.constant 256 : i32
      %dma_start3A_497 = tpu.memref_slice %arg11[%select_n3A, %dma_start3A_496] : memref<20x512xi32, #tpu.memory_space<vmem>> -> memref<1x64xi32, #tpu.memory_space<vmem>>
      %dma_start3A_498 = tpu.memref_squeeze %dma_start3A_497 : memref<1x64xi32, #tpu.memory_space<vmem>> -> memref<64xi32, #tpu.memory_space<vmem>>
      %dma_start3A_499 = arith.constant 0 : i32
      %dma_start3A_500 = arith.constant 0 : i32
      %dma_start3A_501 = tpu.memref_slice %arg3[%dma_start3A_499, %dma_start3A_500] : memref<1000000x128xf32, #tpu.memory_space<hbm>> -> memref<1000000x128xf32, #tpu.memory_space<hbm>>
      tpu.enqueue_indirect_dma source(%dma_start3A_501 : memref<1000000x128xf32, #tpu.memory_space<hbm>>) target(%arg16 : memref<64x128xf32, #tpu.memory_space<vmem>>) offsets(%dma_start3A_498 : memref<64xi32, #tpu.memory_space<vmem>>) semaphore(%arg24 : memref<!tpu.dma_semaphore, #tpu.memory_space<semaphore_mem>>)
      %dma_wait3A_502 = arith.constant 0 : i32
      %dma_wait3A_503 = arith.constant 0 : i32
      %dma_wait3A_504 = tpu.memref_slice %arg3[%dma_wait3A_502, %dma_wait3A_503] : memref<1000000x128xf32, #tpu.memory_space<hbm>> -> memref<64x128xf32, #tpu.memory_space<hbm>>
      %dma_wait3A_505 = arith.constant 0 : i32
      %dma_wait3A_506 = arith.constant 0 : i32
      %dma_wait3A_507 = tpu.memref_slice %arg3[%dma_wait3A_505, %dma_wait3A_506] : memref<1000000x128xf32, #tpu.memory_space<hbm>> -> memref<64x128xf32, #tpu.memory_space<hbm>>
      tpu.wait_dma2 semaphore(%arg33 : memref<!tpu.dma_semaphore, #tpu.memory_space<semaphore_mem>>) src(%dma_wait3A_507 : memref<64x128xf32, #tpu.memory_space<hbm>>) dst(%arg17 : memref<64x128xf32, #tpu.memory_space<vmem>>)
      %dma_start3A_508 = arith.constant 320 : i32
      %dma_start3A_509 = tpu.memref_slice %arg11[%select_n3A, %dma_start3A_508] : memref<20x512xi32, #tpu.memory_space<vmem>> -> memref<1x64xi32, #tpu.memory_space<vmem>>
      %dma_start3A_510 = tpu.memref_squeeze %dma_start3A_509 : memref<1x64xi32, #tpu.memory_space<vmem>> -> memref<64xi32, #tpu.memory_space<vmem>>
      %dma_start3A_511 = arith.constant 0 : i32
      %dma_start3A_512 = arith.constant 0 : i32
      %dma_start3A_513 = tpu.memref_slice %arg3[%dma_start3A_511, %dma_start3A_512] : memref<1000000x128xf32, #tpu.memory_space<hbm>> -> memref<1000000x128xf32, #tpu.memory_space<hbm>>
      tpu.enqueue_indirect_dma source(%dma_start3A_513 : memref<1000000x128xf32, #tpu.memory_space<hbm>>) target(%arg17 : memref<64x128xf32, #tpu.memory_space<vmem>>) offsets(%dma_start3A_510 : memref<64xi32, #tpu.memory_space<vmem>>) semaphore(%arg25 : memref<!tpu.dma_semaphore, #tpu.memory_space<semaphore_mem>>)
      %dma_wait3A_514 = arith.constant 0 : i32
      %dma_wait3A_515 = arith.constant 0 : i32
      %dma_wait3A_516 = tpu.memref_slice %arg3[%dma_wait3A_514, %dma_wait3A_515] : memref<1000000x128xf32, #tpu.memory_space<hbm>> -> memref<64x128xf32, #tpu.memory_space<hbm>>
      %dma_wait3A_517 = arith.constant 0 : i32
      %dma_wait3A_518 = arith.constant 0 : i32
      %dma_wait3A_519 = tpu.memref_slice %arg3[%dma_wait3A_517, %dma_wait3A_518] : memref<1000000x128xf32, #tpu.memory_space<hbm>> -> memref<64x128xf32, #tpu.memory_space<hbm>>
      tpu.wait_dma2 semaphore(%arg34 : memref<!tpu.dma_semaphore, #tpu.memory_space<semaphore_mem>>) src(%dma_wait3A_519 : memref<64x128xf32, #tpu.memory_space<hbm>>) dst(%arg18 : memref<64x128xf32, #tpu.memory_space<vmem>>)
      %dma_start3A_520 = arith.constant 384 : i32
      %dma_start3A_521 = tpu.memref_slice %arg11[%select_n3A, %dma_start3A_520] : memref<20x512xi32, #tpu.memory_space<vmem>> -> memref<1x64xi32, #tpu.memory_space<vmem>>
      %dma_start3A_522 = tpu.memref_squeeze %dma_start3A_521 : memref<1x64xi32, #tpu.memory_space<vmem>> -> memref<64xi32, #tpu.memory_space<vmem>>
      %dma_start3A_523 = arith.constant 0 : i32
      %dma_start3A_524 = arith.constant 0 : i32
      %dma_start3A_525 = tpu.memref_slice %arg3[%dma_start3A_523, %dma_start3A_524] : memref<1000000x128xf32, #tpu.memory_space<hbm>> -> memref<1000000x128xf32, #tpu.memory_space<hbm>>
      tpu.enqueue_indirect_dma source(%dma_start3A_525 : memref<1000000x128xf32, #tpu.memory_space<hbm>>) target(%arg18 : memref<64x128xf32, #tpu.memory_space<vmem>>) offsets(%dma_start3A_522 : memref<64xi32, #tpu.memory_space<vmem>>) semaphore(%arg26 : memref<!tpu.dma_semaphore, #tpu.memory_space<semaphore_mem>>)
      %dma_wait3A_526 = arith.constant 0 : i32
      %dma_wait3A_527 = arith.constant 0 : i32
      %dma_wait3A_528 = tpu.memref_slice %arg3[%dma_wait3A_526, %dma_wait3A_527] : memref<1000000x128xf32, #tpu.memory_space<hbm>> -> memref<64x128xf32, #tpu.memory_space<hbm>>
      %dma_wait3A_529 = arith.constant 0 : i32
      %dma_wait3A_530 = arith.constant 0 : i32
      %dma_wait3A_531 = tpu.memref_slice %arg3[%dma_wait3A_529, %dma_wait3A_530] : memref<1000000x128xf32, #tpu.memory_space<hbm>> -> memref<64x128xf32, #tpu.memory_space<hbm>>
      tpu.wait_dma2 semaphore(%arg35 : memref<!tpu.dma_semaphore, #tpu.memory_space<semaphore_mem>>) src(%dma_wait3A_531 : memref<64x128xf32, #tpu.memory_space<hbm>>) dst(%arg19 : memref<64x128xf32, #tpu.memory_space<vmem>>)
      %dma_start3A_532 = arith.constant 448 : i32
      %dma_start3A_533 = tpu.memref_slice %arg11[%select_n3A, %dma_start3A_532] : memref<20x512xi32, #tpu.memory_space<vmem>> -> memref<1x64xi32, #tpu.memory_space<vmem>>
      %dma_start3A_534 = tpu.memref_squeeze %dma_start3A_533 : memref<1x64xi32, #tpu.memory_space<vmem>> -> memref<64xi32, #tpu.memory_space<vmem>>
      %dma_start3A_535 = arith.constant 0 : i32
      %dma_start3A_536 = arith.constant 0 : i32
      %dma_start3A_537 = tpu.memref_slice %arg3[%dma_start3A_535, %dma_start3A_536] : memref<1000000x128xf32, #tpu.memory_space<hbm>> -> memref<1000000x128xf32, #tpu.memory_space<hbm>>
      tpu.enqueue_indirect_dma source(%dma_start3A_537 : memref<1000000x128xf32, #tpu.memory_space<hbm>>) target(%arg19 : memref<64x128xf32, #tpu.memory_space<vmem>>) offsets(%dma_start3A_534 : memref<64xi32, #tpu.memory_space<vmem>>) semaphore(%arg27 : memref<!tpu.dma_semaphore, #tpu.memory_space<semaphore_mem>>)
      %dma_wait3A_538 = arith.constant 0 : i32
      %dma_wait3A_539 = tpu.memref_slice %arg11[%select_n3A, %dma_wait3A_538] : memref<20x512xi32, #tpu.memory_space<vmem>> -> memref<1x64xi32, #tpu.memory_space<vmem>>
      %dma_wait3A_540 = tpu.memref_squeeze %dma_wait3A_539 : memref<1x64xi32, #tpu.memory_space<vmem>> -> memref<64xi32, #tpu.memory_space<vmem>>
      %dma_wait3A_541 = arith.constant 0 : i32
      %dma_wait3A_542 = arith.constant 0 : i32
      %dma_wait3A_543 = tpu.memref_slice %arg3[%dma_wait3A_541, %dma_wait3A_542] : memref<1000000x128xf32, #tpu.memory_space<hbm>> -> memref<1000000x128xf32, #tpu.memory_space<hbm>>
      tpu.wait_indirect_dma semaphore(%arg20 : memref<!tpu.dma_semaphore, #tpu.memory_space<semaphore_mem>>) src(%dma_wait3A_543 : memref<1000000x128xf32, #tpu.memory_space<hbm>>) dst(%arg12 : memref<64x128xf32, #tpu.memory_space<vmem>>)
      %add3A_544 = arith.constant 0 : i32
      %add3A_545 = arith.addi %mul3A_2, %add3A_544 : i32
      %dma_start3A_546 = arith.constant 0 : i32
      %dma_start3A_547 = tpu.memref_slice %arg9[%select_n3A, %add3A_545, %dma_start3A_546] : memref<20x16384x128xf32, #tpu.memory_space<hbm>> -> memref<1x64x128xf32, #tpu.memory_space<hbm>>
      %dma_start3A_548 = tpu.memref_squeeze %dma_start3A_547 : memref<1x64x128xf32, #tpu.memory_space<hbm>> -> memref<64x128xf32, #tpu.memory_space<hbm>>
      %dma_start3A_549 = arith.constant 0 : i32
      %dma_start3A_550 = tpu.memref_slice %arg9[%select_n3A, %add3A_545, %dma_start3A_549] : memref<20x16384x128xf32, #tpu.memory_space<hbm>> -> memref<1x64x128xf32, #tpu.memory_space<hbm>>
      %dma_start3A_551 = tpu.memref_squeeze %dma_start3A_550 : memref<1x64x128xf32, #tpu.memory_space<hbm>> -> memref<64x128xf32, #tpu.memory_space<hbm>>
      tpu.enqueue_dma source(%arg12 : memref<64x128xf32, #tpu.memory_space<vmem>>) target(%dma_start3A_551 : memref<64x128xf32, #tpu.memory_space<hbm>>) target_semaphore(%arg28 : memref<!tpu.dma_semaphore, #tpu.memory_space<semaphore_mem>>)
      %dma_wait3A_552 = arith.constant 64 : i32
      %dma_wait3A_553 = tpu.memref_slice %arg11[%select_n3A, %dma_wait3A_552] : memref<20x512xi32, #tpu.memory_space<vmem>> -> memref<1x64xi32, #tpu.memory_space<vmem>>
      %dma_wait3A_554 = tpu.memref_squeeze %dma_wait3A_553 : memref<1x64xi32, #tpu.memory_space<vmem>> -> memref<64xi32, #tpu.memory_space<vmem>>
      %dma_wait3A_555 = arith.constant 0 : i32
      %dma_wait3A_556 = arith.constant 0 : i32
      %dma_wait3A_557 = tpu.memref_slice %arg3[%dma_wait3A_555, %dma_wait3A_556] : memref<1000000x128xf32, #tpu.memory_space<hbm>> -> memref<1000000x128xf32, #tpu.memory_space<hbm>>
      tpu.wait_indirect_dma semaphore(%arg21 : memref<!tpu.dma_semaphore, #tpu.memory_space<semaphore_mem>>) src(%dma_wait3A_557 : memref<1000000x128xf32, #tpu.memory_space<hbm>>) dst(%arg13 : memref<64x128xf32, #tpu.memory_space<vmem>>)
      %add3A_558 = arith.constant 64 : i32
      %add3A_559 = arith.addi %mul3A_2, %add3A_558 : i32
      %dma_start3A_560 = arith.constant 0 : i32
      %dma_start3A_561 = tpu.memref_slice %arg9[%select_n3A, %add3A_559, %dma_start3A_560] : memref<20x16384x128xf32, #tpu.memory_space<hbm>> -> memref<1x64x128xf32, #tpu.memory_space<hbm>>
      %dma_start3A_562 = tpu.memref_squeeze %dma_start3A_561 : memref<1x64x128xf32, #tpu.memory_space<hbm>> -> memref<64x128xf32, #tpu.memory_space<hbm>>
      %dma_start3A_563 = arith.constant 0 : i32
      %dma_start3A_564 = tpu.memref_slice %arg9[%select_n3A, %add3A_559, %dma_start3A_563] : memref<20x16384x128xf32, #tpu.memory_space<hbm>> -> memref<1x64x128xf32, #tpu.memory_space<hbm>>
      %dma_start3A_565 = tpu.memref_squeeze %dma_start3A_564 : memref<1x64x128xf32, #tpu.memory_space<hbm>> -> memref<64x128xf32, #tpu.memory_space<hbm>>
      tpu.enqueue_dma source(%arg13 : memref<64x128xf32, #tpu.memory_space<vmem>>) target(%dma_start3A_565 : memref<64x128xf32, #tpu.memory_space<hbm>>) target_semaphore(%arg29 : memref<!tpu.dma_semaphore, #tpu.memory_space<semaphore_mem>>)
      %dma_wait3A_566 = arith.constant 128 : i32
      %dma_wait3A_567 = tpu.memref_slice %arg11[%select_n3A, %dma_wait3A_566] : memref<20x512xi32, #tpu.memory_space<vmem>> -> memref<1x64xi32, #tpu.memory_space<vmem>>
      %dma_wait3A_568 = tpu.memref_squeeze %dma_wait3A_567 : memref<1x64xi32, #tpu.memory_space<vmem>> -> memref<64xi32, #tpu.memory_space<vmem>>
      %dma_wait3A_569 = arith.constant 0 : i32
      %dma_wait3A_570 = arith.constant 0 : i32
      %dma_wait3A_571 = tpu.memref_slice %arg3[%dma_wait3A_569, %dma_wait3A_570] : memref<1000000x128xf32, #tpu.memory_space<hbm>> -> memref<1000000x128xf32, #tpu.memory_space<hbm>>
      tpu.wait_indirect_dma semaphore(%arg22 : memref<!tpu.dma_semaphore, #tpu.memory_space<semaphore_mem>>) src(%dma_wait3A_571 : memref<1000000x128xf32, #tpu.memory_space<hbm>>) dst(%arg14 : memref<64x128xf32, #tpu.memory_space<vmem>>)
      %add3A_572 = arith.constant 128 : i32
      %add3A_573 = arith.addi %mul3A_2, %add3A_572 : i32
      %dma_start3A_574 = arith.constant 0 : i32
      %dma_start3A_575 = tpu.memref_slice %arg9[%select_n3A, %add3A_573, %dma_start3A_574] : memref<20x16384x128xf32, #tpu.memory_space<hbm>> -> memref<1x64x128xf32, #tpu.memory_space<hbm>>
      %dma_start3A_576 = tpu.memref_squeeze %dma_start3A_575 : memref<1x64x128xf32, #tpu.memory_space<hbm>> -> memref<64x128xf32, #tpu.memory_space<hbm>>
      %dma_start3A_577 = arith.constant 0 : i32
      %dma_start3A_578 = tpu.memref_slice %arg9[%select_n3A, %add3A_573, %dma_start3A_577] : memref<20x16384x128xf32, #tpu.memory_space<hbm>> -> memref<1x64x128xf32, #tpu.memory_space<hbm>>
      %dma_start3A_579 = tpu.memref_squeeze %dma_start3A_578 : memref<1x64x128xf32, #tpu.memory_space<hbm>> -> memref<64x128xf32, #tpu.memory_space<hbm>>
      tpu.enqueue_dma source(%arg14 : memref<64x128xf32, #tpu.memory_space<vmem>>) target(%dma_start3A_579 : memref<64x128xf32, #tpu.memory_space<hbm>>) target_semaphore(%arg30 : memref<!tpu.dma_semaphore, #tpu.memory_space<semaphore_mem>>)
      %dma_wait3A_580 = arith.constant 192 : i32
      %dma_wait3A_581 = tpu.memref_slice %arg11[%select_n3A, %dma_wait3A_580] : memref<20x512xi32, #tpu.memory_space<vmem>> -> memref<1x64xi32, #tpu.memory_space<vmem>>
      %dma_wait3A_582 = tpu.memref_squeeze %dma_wait3A_581 : memref<1x64xi32, #tpu.memory_space<vmem>> -> memref<64xi32, #tpu.memory_space<vmem>>
      %dma_wait3A_583 = arith.constant 0 : i32
      %dma_wait3A_584 = arith.constant 0 : i32
      %dma_wait3A_585 = tpu.memref_slice %arg3[%dma_wait3A_583, %dma_wait3A_584] : memref<1000000x128xf32, #tpu.memory_space<hbm>> -> memref<1000000x128xf32, #tpu.memory_space<hbm>>
      tpu.wait_indirect_dma semaphore(%arg23 : memref<!tpu.dma_semaphore, #tpu.memory_space<semaphore_mem>>) src(%dma_wait3A_585 : memref<1000000x128xf32, #tpu.memory_space<hbm>>) dst(%arg15 : memref<64x128xf32, #tpu.memory_space<vmem>>)
      %add3A_586 = arith.constant 192 : i32
      %add3A_587 = arith.addi %mul3A_2, %add3A_586 : i32
      %dma_start3A_588 = arith.constant 0 : i32
      %dma_start3A_589 = tpu.memref_slice %arg9[%select_n3A, %add3A_587, %dma_start3A_588] : memref<20x16384x128xf32, #tpu.memory_space<hbm>> -> memref<1x64x128xf32, #tpu.memory_space<hbm>>
      %dma_start3A_590 = tpu.memref_squeeze %dma_start3A_589 : memref<1x64x128xf32, #tpu.memory_space<hbm>> -> memref<64x128xf32, #tpu.memory_space<hbm>>
      %dma_start3A_591 = arith.constant 0 : i32
      %dma_start3A_592 = tpu.memref_slice %arg9[%select_n3A, %add3A_587, %dma_start3A_591] : memref<20x16384x128xf32, #tpu.memory_space<hbm>> -> memref<1x64x128xf32, #tpu.memory_space<hbm>>
      %dma_start3A_593 = tpu.memref_squeeze %dma_start3A_592 : memref<1x64x128xf32, #tpu.memory_space<hbm>> -> memref<64x128xf32, #tpu.memory_space<hbm>>
      tpu.enqueue_dma source(%arg15 : memref<64x128xf32, #tpu.memory_space<vmem>>) target(%dma_start3A_593 : memref<64x128xf32, #tpu.memory_space<hbm>>) target_semaphore(%arg31 : memref<!tpu.dma_semaphore, #tpu.memory_space<semaphore_mem>>)
      %dma_wait3A_594 = arith.constant 256 : i32
      %dma_wait3A_595 = tpu.memref_slice %arg11[%select_n3A, %dma_wait3A_594] : memref<20x512xi32, #tpu.memory_space<vmem>> -> memref<1x64xi32, #tpu.memory_space<vmem>>
      %dma_wait3A_596 = tpu.memref_squeeze %dma_wait3A_595 : memref<1x64xi32, #tpu.memory_space<vmem>> -> memref<64xi32, #tpu.memory_space<vmem>>
      %dma_wait3A_597 = arith.constant 0 : i32
      %dma_wait3A_598 = arith.constant 0 : i32
      %dma_wait3A_599 = tpu.memref_slice %arg3[%dma_wait3A_597, %dma_wait3A_598] : memref<1000000x128xf32, #tpu.memory_space<hbm>> -> memref<1000000x128xf32, #tpu.memory_space<hbm>>
      tpu.wait_indirect_dma semaphore(%arg24 : memref<!tpu.dma_semaphore, #tpu.memory_space<semaphore_mem>>) src(%dma_wait3A_599 : memref<1000000x128xf32, #tpu.memory_space<hbm>>) dst(%arg16 : memref<64x128xf32, #tpu.memory_space<vmem>>)
      %add3A_600 = arith.constant 256 : i32
      %add3A_601 = arith.addi %mul3A_2, %add3A_600 : i32
      %dma_start3A_602 = arith.constant 0 : i32
      %dma_start3A_603 = tpu.memref_slice %arg9[%select_n3A, %add3A_601, %dma_start3A_602] : memref<20x16384x128xf32, #tpu.memory_space<hbm>> -> memref<1x64x128xf32, #tpu.memory_space<hbm>>
      %dma_start3A_604 = tpu.memref_squeeze %dma_start3A_603 : memref<1x64x128xf32, #tpu.memory_space<hbm>> -> memref<64x128xf32, #tpu.memory_space<hbm>>
      %dma_start3A_605 = arith.constant 0 : i32
      %dma_start3A_606 = tpu.memref_slice %arg9[%select_n3A, %add3A_601, %dma_start3A_605] : memref<20x16384x128xf32, #tpu.memory_space<hbm>> -> memref<1x64x128xf32, #tpu.memory_space<hbm>>
      %dma_start3A_607 = tpu.memref_squeeze %dma_start3A_606 : memref<1x64x128xf32, #tpu.memory_space<hbm>> -> memref<64x128xf32, #tpu.memory_space<hbm>>
      tpu.enqueue_dma source(%arg16 : memref<64x128xf32, #tpu.memory_space<vmem>>) target(%dma_start3A_607 : memref<64x128xf32, #tpu.memory_space<hbm>>) target_semaphore(%arg32 : memref<!tpu.dma_semaphore, #tpu.memory_space<semaphore_mem>>)
      %dma_wait3A_608 = arith.constant 320 : i32
      %dma_wait3A_609 = tpu.memref_slice %arg11[%select_n3A, %dma_wait3A_608] : memref<20x512xi32, #tpu.memory_space<vmem>> -> memref<1x64xi32, #tpu.memory_space<vmem>>
      %dma_wait3A_610 = tpu.memref_squeeze %dma_wait3A_609 : memref<1x64xi32, #tpu.memory_space<vmem>> -> memref<64xi32, #tpu.memory_space<vmem>>
      %dma_wait3A_611 = arith.constant 0 : i32
      %dma_wait3A_612 = arith.constant 0 : i32
      %dma_wait3A_613 = tpu.memref_slice %arg3[%dma_wait3A_611, %dma_wait3A_612] : memref<1000000x128xf32, #tpu.memory_space<hbm>> -> memref<1000000x128xf32, #tpu.memory_space<hbm>>
      tpu.wait_indirect_dma semaphore(%arg25 : memref<!tpu.dma_semaphore, #tpu.memory_space<semaphore_mem>>) src(%dma_wait3A_613 : memref<1000000x128xf32, #tpu.memory_space<hbm>>) dst(%arg17 : memref<64x128xf32, #tpu.memory_space<vmem>>)
      %add3A_614 = arith.constant 320 : i32
      %add3A_615 = arith.addi %mul3A_2, %add3A_614 : i32
      %dma_start3A_616 = arith.constant 0 : i32
      %dma_start3A_617 = tpu.memref_slice %arg9[%select_n3A, %add3A_615, %dma_start3A_616] : memref<20x16384x128xf32, #tpu.memory_space<hbm>> -> memref<1x64x128xf32, #tpu.memory_space<hbm>>
      %dma_start3A_618 = tpu.memref_squeeze %dma_start3A_617 : memref<1x64x128xf32, #tpu.memory_space<hbm>> -> memref<64x128xf32, #tpu.memory_space<hbm>>
      %dma_start3A_619 = arith.constant 0 : i32
      %dma_start3A_620 = tpu.memref_slice %arg9[%select_n3A, %add3A_615, %dma_start3A_619] : memref<20x16384x128xf32, #tpu.memory_space<hbm>> -> memref<1x64x128xf32, #tpu.memory_space<hbm>>
      %dma_start3A_621 = tpu.memref_squeeze %dma_start3A_620 : memref<1x64x128xf32, #tpu.memory_space<hbm>> -> memref<64x128xf32, #tpu.memory_space<hbm>>
      tpu.enqueue_dma source(%arg17 : memref<64x128xf32, #tpu.memory_space<vmem>>) target(%dma_start3A_621 : memref<64x128xf32, #tpu.memory_space<hbm>>) target_semaphore(%arg33 : memref<!tpu.dma_semaphore, #tpu.memory_space<semaphore_mem>>)
      %dma_wait3A_622 = arith.constant 384 : i32
      %dma_wait3A_623 = tpu.memref_slice %arg11[%select_n3A, %dma_wait3A_622] : memref<20x512xi32, #tpu.memory_space<vmem>> -> memref<1x64xi32, #tpu.memory_space<vmem>>
      %dma_wait3A_624 = tpu.memref_squeeze %dma_wait3A_623 : memref<1x64xi32, #tpu.memory_space<vmem>> -> memref<64xi32, #tpu.memory_space<vmem>>
      %dma_wait3A_625 = arith.constant 0 : i32
      %dma_wait3A_626 = arith.constant 0 : i32
      %dma_wait3A_627 = tpu.memref_slice %arg3[%dma_wait3A_625, %dma_wait3A_626] : memref<1000000x128xf32, #tpu.memory_space<hbm>> -> memref<1000000x128xf32, #tpu.memory_space<hbm>>
      tpu.wait_indirect_dma semaphore(%arg26 : memref<!tpu.dma_semaphore, #tpu.memory_space<semaphore_mem>>) src(%dma_wait3A_627 : memref<1000000x128xf32, #tpu.memory_space<hbm>>) dst(%arg18 : memref<64x128xf32, #tpu.memory_space<vmem>>)
      %add3A_628 = arith.constant 384 : i32
      %add3A_629 = arith.addi %mul3A_2, %add3A_628 : i32
      %dma_start3A_630 = arith.constant 0 : i32
      %dma_start3A_631 = tpu.memref_slice %arg9[%select_n3A, %add3A_629, %dma_start3A_630] : memref<20x16384x128xf32, #tpu.memory_space<hbm>> -> memref<1x64x128xf32, #tpu.memory_space<hbm>>
      %dma_start3A_632 = tpu.memref_squeeze %dma_start3A_631 : memref<1x64x128xf32, #tpu.memory_space<hbm>> -> memref<64x128xf32, #tpu.memory_space<hbm>>
      %dma_start3A_633 = arith.constant 0 : i32
      %dma_start3A_634 = tpu.memref_slice %arg9[%select_n3A, %add3A_629, %dma_start3A_633] : memref<20x16384x128xf32, #tpu.memory_space<hbm>> -> memref<1x64x128xf32, #tpu.memory_space<hbm>>
      %dma_start3A_635 = tpu.memref_squeeze %dma_start3A_634 : memref<1x64x128xf32, #tpu.memory_space<hbm>> -> memref<64x128xf32, #tpu.memory_space<hbm>>
      tpu.enqueue_dma source(%arg18 : memref<64x128xf32, #tpu.memory_space<vmem>>) target(%dma_start3A_635 : memref<64x128xf32, #tpu.memory_space<hbm>>) target_semaphore(%arg34 : memref<!tpu.dma_semaphore, #tpu.memory_space<semaphore_mem>>)
      %dma_wait3A_636 = arith.constant 448 : i32
      %dma_wait3A_637 = tpu.memref_slice %arg11[%select_n3A, %dma_wait3A_636] : memref<20x512xi32, #tpu.memory_space<vmem>> -> memref<1x64xi32, #tpu.memory_space<vmem>>
      %dma_wait3A_638 = tpu.memref_squeeze %dma_wait3A_637 : memref<1x64xi32, #tpu.memory_space<vmem>> -> memref<64xi32, #tpu.memory_space<vmem>>
      %dma_wait3A_639 = arith.constant 0 : i32
      %dma_wait3A_640 = arith.constant 0 : i32
      %dma_wait3A_641 = tpu.memref_slice %arg3[%dma_wait3A_639, %dma_wait3A_640] : memref<1000000x128xf32, #tpu.memory_space<hbm>> -> memref<1000000x128xf32, #tpu.memory_space<hbm>>
      tpu.wait_indirect_dma semaphore(%arg27 : memref<!tpu.dma_semaphore, #tpu.memory_space<semaphore_mem>>) src(%dma_wait3A_641 : memref<1000000x128xf32, #tpu.memory_space<hbm>>) dst(%arg19 : memref<64x128xf32, #tpu.memory_space<vmem>>)
      %add3A_642 = arith.constant 448 : i32
      %add3A_643 = arith.addi %mul3A_2, %add3A_642 : i32
      %dma_start3A_644 = arith.constant 0 : i32
      %dma_start3A_645 = tpu.memref_slice %arg9[%select_n3A, %add3A_643, %dma_start3A_644] : memref<20x16384x128xf32, #tpu.memory_space<hbm>> -> memref<1x64x128xf32, #tpu.memory_space<hbm>>
      %dma_start3A_646 = tpu.memref_squeeze %dma_start3A_645 : memref<1x64x128xf32, #tpu.memory_space<hbm>> -> memref<64x128xf32, #tpu.memory_space<hbm>>
      %dma_start3A_647 = arith.constant 0 : i32
      %dma_start3A_648 = tpu.memref_slice %arg9[%select_n3A, %add3A_643, %dma_start3A_647] : memref<20x16384x128xf32, #tpu.memory_space<hbm>> -> memref<1x64x128xf32, #tpu.memory_space<hbm>>
      %dma_start3A_649 = tpu.memref_squeeze %dma_start3A_648 : memref<1x64x128xf32, #tpu.memory_space<hbm>> -> memref<64x128xf32, #tpu.memory_space<hbm>>
      tpu.enqueue_dma source(%arg19 : memref<64x128xf32, #tpu.memory_space<vmem>>) target(%dma_start3A_649 : memref<64x128xf32, #tpu.memory_space<hbm>>) target_semaphore(%arg35 : memref<!tpu.dma_semaphore, #tpu.memory_space<semaphore_mem>>)
    }
    %scan3A_372 = arith.constant 20 : i32
    %dma_wait3A_373 = arith.constant 0 : i32
    %dma_wait3A_374 = arith.constant 0 : i32
    %dma_wait3A_375 = tpu.memref_slice %arg3[%dma_wait3A_373, %dma_wait3A_374] : memref<1000000x128xf32, #tpu.memory_space<hbm>> -> memref<64x128xf32, #tpu.memory_space<hbm>>
    %dma_wait3A_376 = arith.constant 0 : i32
    %dma_wait3A_377 = arith.constant 0 : i32
    %dma_wait3A_378 = tpu.memref_slice %arg3[%dma_wait3A_376, %dma_wait3A_377] : memref<1000000x128xf32, #tpu.memory_space<hbm>> -> memref<64x128xf32, #tpu.memory_space<hbm>>
    tpu.wait_dma2 semaphore(%arg28 : memref<!tpu.dma_semaphore, #tpu.memory_space<semaphore_mem>>) src(%dma_wait3A_378 : memref<64x128xf32, #tpu.memory_space<hbm>>) dst(%arg12 : memref<64x128xf32, #tpu.memory_space<vmem>>)
    %dma_wait3A_379 = arith.constant 0 : i32
    %dma_wait3A_380 = arith.constant 0 : i32
    %dma_wait3A_381 = tpu.memref_slice %arg3[%dma_wait3A_379, %dma_wait3A_380] : memref<1000000x128xf32, #tpu.memory_space<hbm>> -> memref<64x128xf32, #tpu.memory_space<hbm>>
    %dma_wait3A_382 = arith.constant 0 : i32
    %dma_wait3A_383 = arith.constant 0 : i32
    %dma_wait3A_384 = tpu.memref_slice %arg3[%dma_wait3A_382, %dma_wait3A_383] : memref<1000000x128xf32, #tpu.memory_space<hbm>> -> memref<64x128xf32, #tpu.memory_space<hbm>>
    tpu.wait_dma2 semaphore(%arg29 : memref<!tpu.dma_semaphore, #tpu.memory_space<semaphore_mem>>) src(%dma_wait3A_384 : memref<64x128xf32, #tpu.memory_space<hbm>>) dst(%arg13 : memref<64x128xf32, #tpu.memory_space<vmem>>)
    %dma_wait3A_385 = arith.constant 0 : i32
    %dma_wait3A_386 = arith.constant 0 : i32
    %dma_wait3A_387 = tpu.memref_slice %arg3[%dma_wait3A_385, %dma_wait3A_386] : memref<1000000x128xf32, #tpu.memory_space<hbm>> -> memref<64x128xf32, #tpu.memory_space<hbm>>
    %dma_wait3A_388 = arith.constant 0 : i32
    %dma_wait3A_389 = arith.constant 0 : i32
    %dma_wait3A_390 = tpu.memref_slice %arg3[%dma_wait3A_388, %dma_wait3A_389] : memref<1000000x128xf32, #tpu.memory_space<hbm>> -> memref<64x128xf32, #tpu.memory_space<hbm>>
    tpu.wait_dma2 semaphore(%arg30 : memref<!tpu.dma_semaphore, #tpu.memory_space<semaphore_mem>>) src(%dma_wait3A_390 : memref<64x128xf32, #tpu.memory_space<hbm>>) dst(%arg14 : memref<64x128xf32, #tpu.memory_space<vmem>>)
    %dma_wait3A_391 = arith.constant 0 : i32
    %dma_wait3A_392 = arith.constant 0 : i32
    %dma_wait3A_393 = tpu.memref_slice %arg3[%dma_wait3A_391, %dma_wait3A_392] : memref<1000000x128xf32, #tpu.memory_space<hbm>> -> memref<64x128xf32, #tpu.memory_space<hbm>>
    %dma_wait3A_394 = arith.constant 0 : i32
    %dma_wait3A_395 = arith.constant 0 : i32
    %dma_wait3A_396 = tpu.memref_slice %arg3[%dma_wait3A_394, %dma_wait3A_395] : memref<1000000x128xf32, #tpu.memory_space<hbm>> -> memref<64x128xf32, #tpu.memory_space<hbm>>
    tpu.wait_dma2 semaphore(%arg31 : memref<!tpu.dma_semaphore, #tpu.memory_space<semaphore_mem>>) src(%dma_wait3A_396 : memref<64x128xf32, #tpu.memory_space<hbm>>) dst(%arg15 : memref<64x128xf32, #tpu.memory_space<vmem>>)
    %dma_wait3A_397 = arith.constant 0 : i32
    %dma_wait3A_398 = arith.constant 0 : i32
    %dma_wait3A_399 = tpu.memref_slice %arg3[%dma_wait3A_397, %dma_wait3A_398] : memref<1000000x128xf32, #tpu.memory_space<hbm>> -> memref<64x128xf32, #tpu.memory_space<hbm>>
    %dma_wait3A_400 = arith.constant 0 : i32
    %dma_wait3A_401 = arith.constant 0 : i32
    %dma_wait3A_402 = tpu.memref_slice %arg3[%dma_wait3A_400, %dma_wait3A_401] : memref<1000000x128xf32, #tpu.memory_space<hbm>> -> memref<64x128xf32, #tpu.memory_space<hbm>>
    tpu.wait_dma2 semaphore(%arg32 : memref<!tpu.dma_semaphore, #tpu.memory_space<semaphore_mem>>) src(%dma_wait3A_402 : memref<64x128xf32, #tpu.memory_space<hbm>>) dst(%arg16 : memref<64x128xf32, #tpu.memory_space<vmem>>)
    %dma_wait3A_403 = arith.constant 0 : i32
    %dma_wait3A_404 = arith.constant 0 : i32
    %dma_wait3A_405 = tpu.memref_slice %arg3[%dma_wait3A_403, %dma_wait3A_404] : memref<1000000x128xf32, #tpu.memory_space<hbm>> -> memref<64x128xf32, #tpu.memory_space<hbm>>
    %dma_wait3A_406 = arith.constant 0 : i32
    %dma_wait3A_407 = arith.constant 0 : i32
    %dma_wait3A_408 = tpu.memref_slice %arg3[%dma_wait3A_406, %dma_wait3A_407] : memref<1000000x128xf32, #tpu.memory_space<hbm>> -> memref<64x128xf32, #tpu.memory_space<hbm>>
    tpu.wait_dma2 semaphore(%arg33 : memref<!tpu.dma_semaphore, #tpu.memory_space<semaphore_mem>>) src(%dma_wait3A_408 : memref<64x128xf32, #tpu.memory_space<hbm>>) dst(%arg17 : memref<64x128xf32, #tpu.memory_space<vmem>>)
    %dma_wait3A_409 = arith.constant 0 : i32
    %dma_wait3A_410 = arith.constant 0 : i32
    %dma_wait3A_411 = tpu.memref_slice %arg3[%dma_wait3A_409, %dma_wait3A_410] : memref<1000000x128xf32, #tpu.memory_space<hbm>> -> memref<64x128xf32, #tpu.memory_space<hbm>>
    %dma_wait3A_412 = arith.constant 0 : i32
    %dma_wait3A_413 = arith.constant 0 : i32
    %dma_wait3A_414 = tpu.memref_slice %arg3[%dma_wait3A_412, %dma_wait3A_413] : memref<1000000x128xf32, #tpu.memory_space<hbm>> -> memref<64x128xf32, #tpu.memory_space<hbm>>
    tpu.wait_dma2 semaphore(%arg34 : memref<!tpu.dma_semaphore, #tpu.memory_space<semaphore_mem>>) src(%dma_wait3A_414 : memref<64x128xf32, #tpu.memory_space<hbm>>) dst(%arg18 : memref<64x128xf32, #tpu.memory_space<vmem>>)
    %dma_wait3A_415 = arith.constant 0 : i32
    %dma_wait3A_416 = arith.constant 0 : i32
    %dma_wait3A_417 = tpu.memref_slice %arg3[%dma_wait3A_415, %dma_wait3A_416] : memref<1000000x128xf32, #tpu.memory_space<hbm>> -> memref<64x128xf32, #tpu.memory_space<hbm>>
    %dma_wait3A_418 = arith.constant 0 : i32
    %dma_wait3A_419 = arith.constant 0 : i32
    %dma_wait3A_420 = tpu.memref_slice %arg3[%dma_wait3A_418, %dma_wait3A_419] : memref<1000000x128xf32, #tpu.memory_space<hbm>> -> memref<64x128xf32, #tpu.memory_space<hbm>>
    tpu.wait_dma2 semaphore(%arg35 : memref<!tpu.dma_semaphore, #tpu.memory_space<semaphore_mem>>) src(%dma_wait3A_420 : memref<64x128xf32, #tpu.memory_space<hbm>>) dst(%arg19 : memref<64x128xf32, #tpu.memory_space<vmem>>)
    return
  }
}

</mosaic_0001>

<sc_bundles>
// kernel: kernel.3.cloned.1.call-start
scs
__scs_entry_jumppad:
0x0: {  	(pc) =	sbr.rel $0x88, $3  }
0x1: {  	(tag) =	ssettag $0x0;
	lr =	simm.s32 $0x1  }
0x2: {  	[smem:$0x3F9C] =	sst lr;
	_ =	strace $0xD0000000  }
0x3: {  	_ = 	snop  }
0x4: {  	_ = 	snop  }
0x5: {  	_ = 	snop  }
0x6: {  	_ = 	snop  }
0x7: {  	_ = 	snop  }
__scs_overlays_trampoline_lowered:
0x8: {  	[smem:$0x3FAB] =	sst s0  }
0x9: {  	[smem:$0x3FAC] =	sst s1  }
0xa: {  	[smem:$0x3FAD] =	sst s2  }
0xb: {  	[smem:$0x3FAE] =	sst s3  }
0xc: {  	[smem:$0x3FAF] =	sst s4  }
0xd: {  	[smem:$0x3FB0] =	sst s5  }
0xe: {  	[smem:$0x3FB1] =	sst s6  }
0xf: {  	[smem:$0x3FB2] =	sst s7  }
0x10: {  	[smem:$0x3FB3] =	sst s8  }
0x11: {  	[smem:$0x3FB4] =	sst s9;
	s0 =	simm.s32 @!p0 $0x0  }
0x12: {  	s1 =	sld [smem:$0x3F9A];
	s0 =	simm.s32 @p0 $0x1  }
0x13: {  	[smem:$0x3FB5] =	sst s0;
	s0 =	simm.s32 @!p1 $0x0  }
0x14: {  	s2 =	sld [smem:$0x3F99];
	s0 =	simm.s32 @p1 $0x1  }
0x15: {  	[smem:$0x3FB6] =	sst s0;
	s0 =	simm.s32 @!p2 $0x0  }
0x16: {  	s3 =	sld [smem:$0x3FDB];
	s0 =	simm.s32 @p2 $0x1  }
0x17: {  	s4 =	simm.s32 $0x1BF5;
	[smem:$0x3FB8] =	sst s0  }
0x18: {  	s0 =	sld [smem:$0x3F9B];
	_ =	swait.ge [sflag:s4], $0x0  }
0x19: {  	s7 =	sld [smem:$0x3F9C]  }
0x1a: {  	s8 =	sadd.s32 $0xFFFFE003, lr  }
0x1b: {  	s9 =	sadd.s32 $0xFFFFFEF7, lr;
	s5 =	simm.s32 $0xFFFFFFFF;
	p2 =	slt.u32 s8, $0xFFFFF086  }
0x1c: {  	p1 =	slt.u32 s9, $0xF7A;
	s5 =	simm.s32 @!p2 $0x0  }
0x1d: {  	s5 =	simm.s32 @p1 $0x1;
	p0 =	seq.s32 s7, s2  }
0x1e: {  	s7 =	smul.u32 @!p0 $0xF7A, s2;
	p2 =	seq.s32 @!p0 s5, $0x0  }
0x1f: {  	s9 =	smul.u32 $0xF7A, s1;
	s8 =	simm.s32 @!p0 $0x1BF5;
	p2 =	por !p2, p0  }
0x20: {  	[sflag:s8] =	ssyncset.s32 @!p0 $0xFFFFF086;
	s6 =	sadd.s32 @!p0 s3, s7;
	s7 =	simm.s32 @!p0 $0x108  }
0x21: {  	s3 =	sadd.s32 s3, s9;
	s6 =	sadd.s32 @!p0 $0x88, s6;
	s7 =	simm.s32 @p2 $0x1082  }
0x22: {  	[simem:s7], [sflag:s8] =	dma.local @!p0 [hbm:s6], $0xF7A  }
0x23: {  	s9 =	sor.u32 $0xD0000000, s2;
	s6 =	simm.s32 $0x108;
	_ =	swait.ge @!p0 [sflag:s8], $0x0  }
0x24: {  	s3 =	sadd.s32 $0x88, s3;
	s6 =	simm.s32 @!p1 $0x1082;
	[sflag:s4] =	ssyncset.s32 $0xFFFFF086  }
0x25: {  	[simem:s6], [sflag:s4] =	dma.local [hbm:s3], $0xF7A  }
0x26: {  	[smem:$0x3F9C] =	sst s1;
	(tag) =	ssettag s2;
	_ =	strace s9  }
0x27: {  	s1 =	sld [smem:$0x3FAC]  }
0x28: {  	s2 =	sld [smem:$0x3FAD]  }
0x29: {  	s4 =	sld [smem:$0x3FAF]  }
0x2a: {  	p0 =	seq.s32 s5, $0x0;
	s5 =	sld [smem:$0x3FB0]  }
0x2b: {  	s6 =	sld [smem:$0x3FB1]  }
0x2c: {  	s7 =	sld [smem:$0x3FB2]  }
0x2d: {  	s3 =	simm.s32 $0x108;
	s8 =	sld [smem:$0x3FB3]  }
0x2e: {  	s3 =	simm.s32 @!p0 $0x1082;
	s9 =	sld [smem:$0x3FB4]  }
0x2f: {  	lr =	sadd.s32 s0, s3;
	s0 =	sld [smem:$0x3FAB]  }
0x30: {  	s3 =	sld [smem:$0x3FAE]  }
0x31: {  	[smem:$0x3FB7] =	sst s10  }
0x32: {  	s10 =	sld [smem:$0x3FB5];
	_ =	sdelay $0x3  }
0x33: {  	p0 =	seq.s32 s10, $0x1;
	s10 =	sld [smem:$0x3FB7];
	_ =	sdelay $0x3  }
0x34: {  	[smem:$0x3FB7] =	sst s10  }
0x35: {  	s10 =	sld [smem:$0x3FB6];
	_ =	sdelay $0x3  }
0x36: {  	p1 =	seq.s32 s10, $0x1;
	s10 =	sld [smem:$0x3FB7];
	_ =	sdelay $0x3  }
0x37: {  	[smem:$0x3FB7] =	sst s10  }
0x38: {  	s10 =	sld [smem:$0x3FB8]  }
0x39: {  	_ = 	snop;
	(pc) =	sbr.ind lr, $3  }
0x3a: {  	_ = 	snop  }
0x3b: {  	_ = 	snop  }
0x3c: {  	p2 =	seq.s32 s10, $0x1;
	s10 =	sld [smem:$0x3FB7]  }
0x3d: {  	_ =	shalt  }
0x3e: {  	_ =	shalt  }
0x3f: {  	_ =	shalt  }
0x40: {  	_ =	shalt  }
0x41: {  	_ =	shalt  }
0x42: {  	_ =	shalt  }
0x43: {  	_ =	shalt  }
0x44: {  	_ =	shalt  }
0x45: {  	_ =	shalt  }
0x46: {  	_ =	shalt  }
0x47: {  	_ =	shalt  }
0x48: {  	_ =	shalt  }
0x49: {  	_ =	shalt  }
0x4a: {  	_ =	shalt  }
0x4b: {  	_ =	shalt  }
0x4c: {  	_ =	shalt  }
0x4d: {  	_ =	shalt  }
0x4e: {  	_ =	shalt  }
0x4f: {  	_ =	shalt  }
0x50: {  	_ =	shalt  }
0x51: {  	_ =	shalt  }
0x52: {  	_ =	shalt  }
0x53: {  	_ =	shalt  }
0x54: {  	_ =	shalt  }
0x55: {  	_ =	shalt  }
0x56: {  	_ =	shalt  }
0x57: {  	_ =	shalt  }
0x58: {  	_ =	shalt  }
0x59: {  	_ =	shalt  }
0x5a: {  	_ =	shalt  }
0x5b: {  	_ =	shalt  }
0x5c: {  	_ =	shalt  }
0x5d: {  	_ =	shalt  }
0x5e: {  	_ =	shalt  }
0x5f: {  	_ =	shalt  }
0x60: {  	_ =	shalt  }
0x61: {  	_ =	shalt  }
0x62: {  	_ =	shalt  }
0x63: {  	_ =	shalt  }
0x64: {  	_ =	shalt  }
0x65: {  	_ =	shalt  }
0x66: {  	_ =	shalt  }
0x67: {  	_ =	shalt  }
0x68: {  	_ =	shalt  }
0x69: {  	_ =	shalt  }
0x6a: {  	_ =	shalt  }
0x6b: {  	_ =	shalt  }
0x6c: {  	_ =	shalt  }
0x6d: {  	_ =	shalt  }
0x6e: {  	_ =	shalt  }
0x6f: {  	_ =	shalt  }
0x70: {  	_ =	shalt  }
0x71: {  	_ =	shalt  }
0x72: {  	_ =	shalt  }
0x73: {  	_ =	shalt  }
0x74: {  	_ =	shalt  }
0x75: {  	_ =	shalt  }
0x76: {  	_ =	shalt  }
0x77: {  	_ =	shalt  }
0x78: {  	_ =	shalt  }
0x79: {  	_ =	shalt  }
0x7a: {  	_ =	shalt  }
0x7b: {  	_ =	shalt  }
0x7c: {  	_ =	shalt  }
0x7d: {  	_ =	shalt  }
0x7e: {  	_ =	shalt  }
0x7f: {  	_ =	shalt  }
0x80: {  	_ =	shalt  }
0x81: {  	_ =	shalt  }
0x82: {  	_ =	shalt  }
0x83: {  	_ =	shalt  }
0x84: {  	_ =	shalt  }
0x85: {  	_ =	shalt  }
0x86: {  	_ =	shalt  }
0x87: {  	_ =	shalt  }
.Lfunc_end0:
.L_simem_size_0:
called_computation_lowered:
.L_overlay_start_0:
0x88: {  	s2 =	sld [smem:$0x3FD9]  }
0x89: {  	s3 =	sld [smem:$0x3FFE];
	_ =	sdelay $0x1  }
0x8a: {  	s1 =	srdreg.scid  }
0x8b: {  	s0 =	sand.u32 $0x1, s1  }
0x8c: {  	s14 =	sshll.u32 s0, $0xA;
	s2 =	sadd.s32 s3, s2  }
0x8d: {  	s2 =	sadd.s32 s2, s14  }
0x8e: {  	[smem:$0x3FC3] =	sst s2  }
0x8f: {  	_ = 	snop  }
0x90: {  	s2 =	sld [smem:$0x3FD0]  }
0x91: {  	s15 =	sld [smem:$0x3FC7]  }
0x92: {  	s4 =	sld [smem:$0x3FC6]  }
0x93: {  	s6 =	simm.s32 $0xA;
	s7 =	simm.s32 $0x10;
	s5 =	sld [smem:$0x3FC5]  }
0x94: {  	[smem:s7], [sflag:s6] =	dma.local [hbm:s2], $0x1  }
0x95: {  	_ =	swait.eq [sflag:s6], $0x1  }
0x96: {  	s16 =	sld [smem:$0x10];
	[sflag:s6] =	ssyncset.done $0x0  }
0x97: {  	s17 =	sld [smem:$0x11];
	[sflag:s6] =	ssyncadd.s32 $0xFFFFFFFF  }
0x98: {  	s18 =	sld [smem:$0x12];
	(tm) =	ssettm $0x1  }
0x99: {  	s8 =	sld [smem:$0x3FFB];
	_ =	sdelay $0x3  }
0x9a: {  	_ =	strace s8  }
0x9b: {  	s8 =	sld [smem:$0x3FFC];
	_ =	sdelay $0x3  }
0x9c: {  	_ =	strace s8  }
0x9d: {  	s8 =	sld [smem:$0x3FFD];
	_ =	sdelay $0x3  }
0x9e: {  	_ =	strace s8  }
0x9f: {  	_ =	strace $0x8FFFFFFF  }
0xa0: {  	s19 =	sld [smem:$0x3FDB];
	_ =	sdelay $0x1  }
0xa1: {  	s9 =	simm.s32 $_scs_section_size  }
0xa2: {  	s10 =	simm.s32 $_size__tile_overlayer_lowered;
	s11 =	simm.s32 $_tile_overlayer_lowered  }
0xa3: {  	s22 =	simm.s32 $0x1BFF;
	s21 =	sshll.u32 s11, $0x1;
	s8 =	sadd.s32 s9, s19  }
0xa4: {  	s12 =	simm.s32 $0x0;
	s20 =	sshll.u32 s10, $0x1;
	s10 =	sadd.s32 s21, s8  }
0xa5: {  	[timem:s12], [sflag:s22] =	dma.local [hbm:s10], s20  }
0xa6: {  	_ =	swait.ge [sflag:s22], s20  }
0xa7: {  	s9 =	ssub.s32 $0x0, s20;
	[sflag:s22] =	ssyncset.done $0x0  }
0xa8: {  	[sflag:s22] =	ssyncadd.s32 s9;
	_ =	sdelay $0x1  }
0xa9: {  	s23 =	simm.s32 $0x1B8B  }
0xaa: {  	_ =	swait.ge [sflag:s23], $0x1  }
0xab: {  	[sflag:s23] =	ssyncset.done $0x0  }
0xac: {  	s25 =	simm.s32 $0x1B8E;
	s24 =	sld [smem:$0x3FFE];
	[sflag:s23] =	ssyncadd.s32 $0xFFFFFFFF  }
0xad: {  	s26 =	simm.s32 $execute0_lowered;
	[smem:$0x3FD2] =	sst s25  }
0xae: {  	s10 =	sshll.u32 s26, $0x1;
	_ =	strace $0x80000046;
	[dreg:$0x1] =	wrdreg $0xFFFFFFFF  }
0xaf: {  	s28 =	simm.s32 $_size_execute0_lowered;
	s8 =	sadd.s32 s8, s10;
	[dreg:$0x0] =	wrdreg $0x0  }
0xb0: {  	s10 =	sshll.u32 s28, $0x1;
	[dreg:$0x2] =	wrdreg s8  }
0xb1: {  	[dreg:$0x3] =	wrdreg s10  }
0xb2: {  	[dreg:$0x4] =	wrdreg $0xC0  }
0xb3: {  	_ =	task [dreg:s12], $0x5FFFF  }
0xb4: {  	[dreg:$0x1] =	wrdreg $0xFFFFFFFF  }
0xb5: {  	[dreg:$0x0] =	wrdreg $0x60  }
0xb6: {  	[dreg:$0x2] =	wrdreg s4  }
0xb7: {  	[dreg:$0x3] =	wrdreg s5  }
0xb8: {  	[dreg:$0x4] =	wrdreg s24  }
0xb9: {  	[dreg:$0x5] =	wrdreg s15  }
0xba: {  	[dreg:$0x6] =	wrdreg s16  }
0xbb: {  	[dreg:$0x7] =	wrdreg s17  }
0xbc: {  	[dreg:$0x8] =	wrdreg s18  }
0xbd: {  	[dreg:$0x9] =	wrdreg $0x9  }
0xbe: {  	_ =	task.clear_ibuf [dreg:s12], $0xAFFFF;
	_ =	strace $0x90000046  }
0xbf: {  	s29 =	simm.s32 $0x9;
	_ =	strace $0x80000048  }
0xc0: {  	_ =	swait.ge [sflag:s29], $0x1  }
0xc1: {  	[sflag:s29] =	ssyncadd.s32 $0xFFFFFFFF  }
0xc2: {  	_ =	strace $0x90000048  }
0xc3: {  	_ =	sfence  }
0xc4: {  	s30 =	sld [smem:$0x0];
	_ =	sdelay $0x2  }
0xc5: {  	s31 =	sshll.u32 s1, $0xD;
	s1 =	sshrl.u32 s1, $0x2  }
0xc6: {  	s3 =	sand.u32 $0x4000, s31;
	s1 =	sadd.s32 s1, s30  }
0xc7: {  	s0 =	sor.u32 s3, s0;
	s1 =	sshll.u32 s1, $0x11  }
0xc8: {  	s0 =	sor.u32 s1, s0  }
0xc9: {  	s0 =	sadd.s32 $0x8F2B, s0  }
0xca: {  	[sflag:s0] =	ssyncadd.remote.s32 $0x1  }
0xcb: {  	_ =	sfence.sel $0xFFFF  }
0xcc: {  	[dreg:$0x0] =	wrdreg $0xFFFFFFFF;
	(pc) =	sbr.abs _section_cstart, $3  }
0xcd: {  	[dreg:$0x1] =	wrdreg $0xFFFFFFFF  }
0xce: {  	_ =	task.clear_ibuf [dreg:s12], $0x2FFFF;
	_ =	strace $0x9FFFFFFF  }
0xcf: {  	(tm) =	ssettm $0x7FFFFFFF  }
tec
execute0_lowered:
.L_overlay_start_1:
0x0: {  	(tag) =	ssettag $0x1  }
0x1: {  	s1 =	rddreg [dreg:$0x1]  }
0x2: {  	s2 =	rddreg [dreg:$0x2]  }
0x3: {  	s5 =	rddreg [dreg:$0x3]  }
0x4: {  	s6 =	rddreg [dreg:$0x4];
	s0 =	srdreg.scid  }
0x5: {  	s15 =	stileid.u32;
	s7 =	rddreg [dreg:$0x5]  }
0x6: {  	s31 =	simm.s32 $0x40;
	s29 =	simm.s32 $0x1;
	s30 =	simm.s32 $0x6  }
0x7: {  	s8 =	sand.u32 $0x1, s0;
	s3 =	sshll.u32 s15, $0x1;
	s0 =	rddreg [dreg:$0x6]  }
0x8: {  	s15 =	sshll.u32 s15, $0x11;
	s9 =	sor.u32 s8, s3;
	s3 =	simm.s32 $0x0  }
0x9: {  	s10 =	ssub.s32 $0x2, s8;
	s8 =	sshll.u32 s8, $0x10;
	s4 =	sshll.u32 s9, $0x7  }
0xa: {  	[smem:$0x7FF] =	sst s3;
	s24 =	sshrl.u32 s10, $0x1;
	s25 =	sshll.u32 s9, $0x9  }
0xb: {  	s9 =	sshll.u32 s9, $0xD;
	s8 =	sor.u32 s8, s15;
	s5 =	sadd.s32 s5, s25  }
0xc: {  	s2 =	sadd.s32 s4, s2;
	s11 =	sadd.s32 s6, s9;
	[dreg:$0x10] =	wrdreg s5  }
0xd: {  	s26 =	sor.u32 $0x400, s9;
	s23 =	sadd.s32 s7, s9;
	[dreg:$0x11] =	wrdreg s11  }
0xe: {  	s28 =	sor.u32 $0x800, s9;
	s16 =	sadd.s32 s6, s26;
	[dreg:$0x19] =	wrdreg s23  }
0xf: {  	s18 =	sor.u32 $0xC00, s9;
	s17 =	sadd.s32 s6, s28;
	[dreg:$0x12] =	wrdreg s16  }
0x10: {  	s12 =	sor.u32 $0x1000, s9;
	s14 =	sadd.s32 s6, s18;
	[dreg:$0x13] =	wrdreg s17  }
0x11: {  	s13 =	sor.u32 $0x1400, s9;
	s19 =	sadd.s32 s6, s12;
	[dreg:$0x14] =	wrdreg s14  }
0x12: {  	s4 =	ssub.s32 s10, s24;
	s20 =	sadd.s32 s6, s13;
	[dreg:$0x15] =	wrdreg s19  }
0x13: {  	s21 =	sor.u32 $0x1800, s9;
	s5 =	sadd.s32 s7, s26;
	[dreg:$0x16] =	wrdreg s20  }
0x14: {  	s22 =	sor.u32 $0x1C00, s9;
	s24 =	sadd.s32 s7, s28;
	[dreg:$0x1a] =	wrdreg s5  }
0x15: {  	s9 =	sor.u32 $0xE000, s8;
	s25 =	sadd.s32 s7, s18;
	[dreg:$0x1b] =	wrdreg s24  }
0x16: {  	s26 =	sadd.s32 s7, s12;
	s28 =	sadd.s32 s7, s13;
	[dreg:$0x1c] =	wrdreg s25  }
0x17: {  	s10 =	sadd.s32 s7, s22;
	s11 =	sor.u32 $0xC000, s8;
	[dreg:$0x1d] =	wrdreg s26  }
0x18: {  	s13 =	sor.u32 $0xA000, s8;
	s18 =	sor.u32 $0x6000, s8;
	[dreg:$0x1e] =	wrdreg s28  }
0x19: {  	s16 =	sadd.s32 s6, s21;
	s6 =	sadd.s32 s6, s22;
	[smem:$0x7FA] =	sst s10  }
0x1a: {  	s5 =	sshrl.u32 s9, $0x3;
	s12 =	sshrl.u32 s11, $0x3;
	s14 =	sor.u32 $0x8000, s8  }
0x1b: {  	s19 =	sshrl.u32 s18, $0x3;
	s20 =	sor.u32 $0x4000, s8;
	s25 =	sshrl.u32 s8, $0x3  }
0x1c: {  	s26 =	sadd.s32 $0x800, s2;
	s2 =	sadd.s32 $0x1800, s2;
	s28 =	smax.u32 s4, $0x1  }
0x1d: {  	s9 =	simm.s32 $0x3;
	s10 =	simm.s32 $0x4;
	[dreg:$0x17] =	wrdreg s16  }
0x1e: {  	s11 =	simm.s32 $0x5;
	s18 =	simm.s32 $0xB;
	[dreg:$0x18] =	wrdreg s6  }
0x1f: {  	s6 =	sadd.s32 s7, s21;
	s5 =	sadd.s32 s5, s0;
	s16 =	sshrl.u32 s14, $0x3  }
0x20: {  	s21 =	sor.u32 $0x2000, s8;
	s8 =	simm.s32 $0x2;
	[dreg:$0x1f] =	wrdreg s6  }
0x21: {  	s17 =	sadd.s32 s16, s0;
	_ =	strace $0x80000047;
	[dreg:$0x8] =	wrdreg s5  }
0x22: {  	s14 =	simm.s32 $0x8;
	s6 =	sshrl.u32 s13, $0x3;
	[dreg:$0xb] =	wrdreg s17  }
0x23: {  	s23 =	sshrl.u32 s21, $0x3;
	s13 =	simm.s32 $0x7;
	[smem:$0x7FB] =	sst s26  }
0x24: {  	s16 =	simm.s32 $0xA;
	s21 =	simm.s32 $0xE;
	[smem:$0x7FC] =	sst s2  }
0x25: {  	s5 =	sadd.s32 s12, s0;
	s15 =	sadd.s32 s6, s0;
	[smem:$0x7FD] =	sst s28  }
0x26: {  	s6 =	sshrl.u32 s20, $0x3;
	s24 =	sadd.s32 s23, s0;
	[dreg:$0x9] =	wrdreg s5  }
0x27: {  	s20 =	simm.s32 $0xD;
	s26 =	simm.s32 $0xF;
	[dreg:$0xa] =	wrdreg s15  }
0x28: {  	s2 =	simm.s32 $0x0;
	s5 =	sadd.s32 s19, s0;
	[dreg:$0xe] =	wrdreg s24  }
0x29: {  	s12 =	simm.s32 $0x5;
	s22 =	sadd.s32 s6, s0;
	[dreg:$0xc] =	wrdreg s5  }
0x2a: {  	s0 =	sadd.s32 s25, s0;
	s15 =	simm.s32 $0x9;
	[dreg:$0xd] =	wrdreg s22  }
0x2b: {  	s19 =	simm.s32 $0xC;
	[dreg:$0xf] =	wrdreg s0;
	s22 =	simm.s32 $0x10  }
.LBB2_1:
0x2c: {  	s0 =	sld [smem:$0x7FB];
	_ =	sdelay $0x1  }
0x2d: {  	[smem:$0x7F9] =	sst s2;
	s17 =	simm.s32 $0x11  }
0x2e: {  	[tilespmem:s3], [sflag:$0x11] =	stream.linear.gather [hbm4b:s0+s3], $0x400, $0x38;
	[tilespmem:$0x13800] =	vst v63  }
0x2f: {  	_ =	swait.ge [sflag:s17], $0x400  }
0x30: {  	s4 =	sld [smem:$0x7FC]  }
0x31: {  	[sflag:s17] =	ssyncset.done $0x0  }
0x32: {  	s23 =	simm.s32 $0x400;
	[sflag:s17] =	ssyncadd.s32 $0xFFFFFC00  }
0x33: {  	[tilespmem:s23], [sflag:$0x11] =	stream.linear.gather [hbm4b:s4+s3], $0x400, $0x38;
	[tilespmem:$0x13800] =	vst v63  }
0x34: {  	_ =	swait.ge [sflag:s17], $0x400  }
0x35: {  	s24 =	simm.s32 $0x1000;
	s25 =	simm.s32 $0x20000;
	[sflag:s17] =	ssyncset.done $0x0  }
0x36: {  	s28 =	simm.s32 $0x800;
	s5 =	rddreg [dreg:$0x10];
	[sflag:s17] =	ssyncadd.s32 $0xFFFFFC00  }
0x37: {  	[tilespmem:s28], [sflag:$0x11] =	stream.strided.gather [hbm4b:s5+s24], $0x3000, s25, s24, $0x38;
	[tilespmem:$0x13800] =	vst v63  }
0x38: {  	_ =	swait.ge [sflag:s17], $0x3000  }
0x39: {  	[sflag:s17] =	ssyncset.done $0x0  }
0x3a: {  	[sflag:s17] =	ssyncadd.s32 $0xFFFFD000  }
0x3b: {  	s25 =	simm.s32 $0x3800;
	s0 =	rddreg [dreg:$0x0]  }
0x3c: {  	[tilespmem:s25], [sflag:$0x1] =	stream.indirect.gather [hbm4b:s0+s31], $0x80, s3, s31, $0xb8;
	[tilespmem:$0x13800] =	vst v63  }
0x3d: {  	s6 =	simm.s32 $0x80;
	s2 =	simm.s32 $0x5800  }
0x3e: {  	[tilespmem:s2], [sflag:$0x2] =	stream.indirect.gather [hbm4b:s0+s31], $0x80, s6, s31, $0xb8;
	[tilespmem:$0x13800] =	vst v63  }
0x3f: {  	s7 =	simm.s32 $0x100;
	s4 =	simm.s32 $0x7800  }
0x40: {  	[tilespmem:s4], [sflag:$0x3] =	stream.indirect.gather [hbm4b:s0+s31], $0x80, s7, s31, $0xb8;
	[tilespmem:$0x13800] =	vst v63  }
0x41: {  	s24 =	simm.s32 $0x180;
	s5 =	simm.s32 $0x9800  }
0x42: {  	[tilespmem:s5], [sflag:$0x4] =	stream.indirect.gather [hbm4b:s0+s31], $0x80, s24, s31, $0xb8;
	[tilespmem:$0x13800] =	vst v63  }
0x43: {  	s28 =	simm.s32 $0x200;
	s6 =	simm.s32 $0xB800  }
0x44: {  	[tilespmem:s6], [sflag:$0x5] =	stream.indirect.gather [hbm4b:s0+s31], $0x80, s28, s31, $0xb8;
	[tilespmem:$0x13800] =	vst v63  }
0x45: {  	s7 =	simm.s32 $0x280;
	s28 =	simm.s32 $0xD800  }
0x46: {  	[tilespmem:s28], [sflag:$0x6] =	stream.indirect.gather [hbm4b:s0+s31], $0x80, s7, s31, $0xb8;
	[tilespmem:$0x13800] =	vst v63  }
0x47: {  	s24 =	simm.s32 $0x300;
	s7 =	simm.s32 $0xF800  }
0x48: {  	[tilespmem:s7], [sflag:$0x7] =	stream.indirect.gather [hbm4b:s0+s31], $0x80, s24, s31, $0xb8;
	[tilespmem:$0x13800] =	vst v63  }
0x49: {  	s17 =	simm.s32 $0x380;
	s24 =	simm.s32 $0x11800  }
0x4a: {  	[tilespmem:s24], [sflag:$0x8] =	stream.indirect.gather [hbm4b:s0+s31], $0x80, s17, s31, $0xb8;
	[tilespmem:$0x13800] =	vst v63  }
0x4b: {  	_ =	swait.ge [sflag:s29], $0x2000  }
0x4c: {  	[sflag:s29] =	ssyncset.done $0x0  }
0x4d: {  	s17 =	rddreg [dreg:$0x11];
	[sflag:s29] =	ssyncadd.s32 $0xFFFFE000  }
0x4e: {  	[hbm4b:s17+s3] =	stream.linear.scatter [tilespmem:s25], [sflag:$0x9], $0x2000, $0x38;
	[tilespmem:$0x13800] =	vst v63  }
0x4f: {  	_ =	swait.ge [sflag:s8], $0x2000  }
0x50: {  	[sflag:s8] =	ssyncset.done $0x0  }
0x51: {  	s17 =	rddreg [dreg:$0x12];
	[sflag:s8] =	ssyncadd.s32 $0xFFFFE000  }
0x52: {  	[hbm4b:s17+s3] =	stream.linear.scatter [tilespmem:s2], [sflag:$0xA], $0x2000, $0x38;
	[tilespmem:$0x13800] =	vst v63  }
0x53: {  	_ =	swait.ge [sflag:s9], $0x2000  }
0x54: {  	[sflag:s9] =	ssyncset.done $0x0  }
0x55: {  	s17 =	rddreg [dreg:$0x13];
	[sflag:s9] =	ssyncadd.s32 $0xFFFFE000  }
0x56: {  	[hbm4b:s17+s3] =	stream.linear.scatter [tilespmem:s4], [sflag:$0xB], $0x2000, $0x38;
	[tilespmem:$0x13800] =	vst v63  }
0x57: {  	_ =	swait.ge [sflag:s10], $0x2000  }
0x58: {  	[sflag:s10] =	ssyncset.done $0x0  }
0x59: {  	s17 =	rddreg [dreg:$0x14];
	[sflag:s10] =	ssyncadd.s32 $0xFFFFE000  }
0x5a: {  	[hbm4b:s17+s3] =	stream.linear.scatter [tilespmem:s5], [sflag:$0xC], $0x2000, $0x38;
	[tilespmem:$0x13800] =	vst v63  }
0x5b: {  	_ =	swait.ge [sflag:s11], $0x2000  }
0x5c: {  	[sflag:s11] =	ssyncset.done $0x0  }
0x5d: {  	s17 =	rddreg [dreg:$0x15];
	[sflag:s11] =	ssyncadd.s32 $0xFFFFE000  }
0x5e: {  	[hbm4b:s17+s3] =	stream.linear.scatter [tilespmem:s6], [sflag:$0xD], $0x2000, $0x38;
	[tilespmem:$0x13800] =	vst v63  }
0x5f: {  	_ =	swait.ge [sflag:s30], $0x2000  }
0x60: {  	[sflag:s30] =	ssyncset.done $0x0  }
0x61: {  	s17 =	rddreg [dreg:$0x16];
	[sflag:s30] =	ssyncadd.s32 $0xFFFFE000  }
0x62: {  	[hbm4b:s17+s3] =	stream.linear.scatter [tilespmem:s28], [sflag:$0xE], $0x2000, $0x38;
	[tilespmem:$0x13800] =	vst v63  }
0x63: {  	_ =	swait.ge [sflag:s13], $0x2000  }
0x64: {  	[sflag:s13] =	ssyncset.done $0x0  }
0x65: {  	s17 =	rddreg [dreg:$0x17];
	[sflag:s13] =	ssyncadd.s32 $0xFFFFE000  }
0x66: {  	[hbm4b:s17+s3] =	stream.linear.scatter [tilespmem:s7], [sflag:$0xF], $0x2000, $0x38;
	[tilespmem:$0x13800] =	vst v63  }
0x67: {  	_ =	swait.ge [sflag:s14], $0x2000  }
0x68: {  	[sflag:s14] =	ssyncset.done $0x0  }
0x69: {  	s17 =	rddreg [dreg:$0x18];
	[sflag:s14] =	ssyncadd.s32 $0xFFFFE000  }
0x6a: {  	[hbm4b:s17+s3] =	stream.linear.scatter [tilespmem:s24], [sflag:$0x10], $0x2000, $0x38;
	[tilespmem:$0x13800] =	vst v63  }
0x6b: {  	_ =	swait.ge [sflag:s15], $0x2000  }
0x6c: {  	[sflag:s15] =	ssyncset.done $0x0  }
0x6d: {  	[sflag:s15] =	ssyncadd.s32 $0xFFFFE000  }
0x6e: {  	[tilespmem:s25], [sflag:$0x1] =	stream.indirect.gather [hbm4b:s1+s31], $0x80, s23, s31, $0xb8;
	[tilespmem:$0x13800] =	vst v63  }
0x6f: {  	_ =	swait.ge [sflag:s16], $0x2000  }
0x70: {  	[sflag:s16] =	ssyncset.done $0x0  }
0x71: {  	s23 =	simm.s32 $0x480;
	[sflag:s16] =	ssyncadd.s32 $0xFFFFE000  }
0x72: {  	[tilespmem:s2], [sflag:$0x2] =	stream.indirect.gather [hbm4b:s1+s31], $0x80, s23, s31, $0xb8;
	[tilespmem:$0x13800] =	vst v63  }
0x73: {  	_ =	swait.ge [sflag:s18], $0x2000  }
0x74: {  	[sflag:s18] =	ssyncset.done $0x0  }
0x75: {  	s17 =	simm.s32 $0x500;
	[sflag:s18] =	ssyncadd.s32 $0xFFFFE000  }
0x76: {  	[tilespmem:s4], [sflag:$0x3] =	stream.indirect.gather [hbm4b:s1+s31], $0x80, s17, s31, $0xb8;
	[tilespmem:$0x13800] =	vst v63  }
0x77: {  	_ =	swait.ge [sflag:s19], $0x2000  }
0x78: {  	[sflag:s19] =	ssyncset.done $0x0  }
0x79: {  	s23 =	simm.s32 $0x580;
	[sflag:s19] =	ssyncadd.s32 $0xFFFFE000  }
0x7a: {  	[tilespmem:s5], [sflag:$0x4] =	stream.indirect.gather [hbm4b:s1+s31], $0x80, s23, s31, $0xb8;
	[tilespmem:$0x13800] =	vst v63  }
0x7b: {  	_ =	swait.ge [sflag:s20], $0x2000  }
0x7c: {  	[sflag:s20] =	ssyncset.done $0x0  }
0x7d: {  	s17 =	simm.s32 $0x600;
	[sflag:s20] =	ssyncadd.s32 $0xFFFFE000  }
0x7e: {  	[tilespmem:s6], [sflag:$0x5] =	stream.indirect.gather [hbm4b:s1+s31], $0x80, s17, s31, $0xb8;
	[tilespmem:$0x13800] =	vst v63  }
0x7f: {  	_ =	swait.ge [sflag:s21], $0x2000  }
0x80: {  	[sflag:s21] =	ssyncset.done $0x0  }
0x81: {  	s23 =	simm.s32 $0x680;
	[sflag:s21] =	ssyncadd.s32 $0xFFFFE000  }
0x82: {  	[tilespmem:s28], [sflag:$0x6] =	stream.indirect.gather [hbm4b:s1+s31], $0x80, s23, s31, $0xb8;
	[tilespmem:$0x13800] =	vst v63  }
0x83: {  	_ =	swait.ge [sflag:s26], $0x2000  }
0x84: {  	[sflag:s26] =	ssyncset.done $0x0  }
0x85: {  	s17 =	simm.s32 $0x700;
	[sflag:s26] =	ssyncadd.s32 $0xFFFFE000  }
0x86: {  	[tilespmem:s7], [sflag:$0x7] =	stream.indirect.gather [hbm4b:s1+s31], $0x80, s17, s31, $0xb8;
	[tilespmem:$0x13800] =	vst v63  }
0x87: {  	_ =	swait.ge [sflag:s22], $0x2000  }
0x88: {  	[sflag:s22] =	ssyncset.done $0x0  }
0x89: {  	s23 =	simm.s32 $0x780;
	[sflag:s22] =	ssyncadd.s32 $0xFFFFE000  }
0x8a: {  	[tilespmem:s24], [sflag:$0x8] =	stream.indirect.gather [hbm4b:s1+s31], $0x80, s23, s31, $0xb8;
	[tilespmem:$0x13800] =	vst v63  }
0x8b: {  	_ =	swait.ge [sflag:s29], $0x2000  }
0x8c: {  	[sflag:s29] =	ssyncset.done $0x0  }
0x8d: {  	s17 =	rddreg [dreg:$0x19];
	[sflag:s29] =	ssyncadd.s32 $0xFFFFE000  }
0x8e: {  	[hbm4b:s17+s3] =	stream.linear.scatter [tilespmem:s25], [sflag:$0x9], $0x2000, $0x38;
	[tilespmem:$0x13800] =	vst v63  }
0x8f: {  	_ =	swait.ge [sflag:s8], $0x2000  }
0x90: {  	[sflag:s8] =	ssyncset.done $0x0  }
0x91: {  	s23 =	rddreg [dreg:$0x1a];
	[sflag:s8] =	ssyncadd.s32 $0xFFFFE000  }
0x92: {  	[hbm4b:s23+s3] =	stream.linear.scatter [tilespmem:s2], [sflag:$0xA], $0x2000, $0x38;
	[tilespmem:$0x13800] =	vst v63  }
0x93: {  	_ =	swait.ge [sflag:s9], $0x2000  }
0x94: {  	[sflag:s9] =	ssyncset.done $0x0  }
0x95: {  	s17 =	rddreg [dreg:$0x1b];
	[sflag:s9] =	ssyncadd.s32 $0xFFFFE000  }
0x96: {  	[hbm4b:s17+s3] =	stream.linear.scatter [tilespmem:s4], [sflag:$0xB], $0x2000, $0x38;
	[tilespmem:$0x13800] =	vst v63  }
0x97: {  	_ =	swait.ge [sflag:s10], $0x2000  }
0x98: {  	[sflag:s10] =	ssyncset.done $0x0  }
0x99: {  	s23 =	rddreg [dreg:$0x1c];
	[sflag:s10] =	ssyncadd.s32 $0xFFFFE000  }
0x9a: {  	[hbm4b:s23+s3] =	stream.linear.scatter [tilespmem:s5], [sflag:$0xC], $0x2000, $0x38;
	[tilespmem:$0x13800] =	vst v63  }
0x9b: {  	_ =	swait.ge [sflag:s11], $0x2000  }
0x9c: {  	[sflag:s11] =	ssyncset.done $0x0  }
0x9d: {  	s17 =	rddreg [dreg:$0x1d];
	[sflag:s11] =	ssyncadd.s32 $0xFFFFE000  }
0x9e: {  	[hbm4b:s17+s3] =	stream.linear.scatter [tilespmem:s6], [sflag:$0xD], $0x2000, $0x38;
	[tilespmem:$0x13800] =	vst v63  }
0x9f: {  	_ =	swait.ge [sflag:s30], $0x2000  }
0xa0: {  	[sflag:s30] =	ssyncset.done $0x0  }
0xa1: {  	s23 =	rddreg [dreg:$0x1e];
	[sflag:s30] =	ssyncadd.s32 $0xFFFFE000  }
0xa2: {  	[hbm4b:s23+s3] =	stream.linear.scatter [tilespmem:s28], [sflag:$0xE], $0x2000, $0x38;
	[tilespmem:$0x13800] =	vst v63  }
0xa3: {  	_ =	swait.ge [sflag:s13], $0x2000  }
0xa4: {  	[sflag:s13] =	ssyncset.done $0x0  }
0xa5: {  	s17 =	rddreg [dreg:$0x1f];
	[sflag:s13] =	ssyncadd.s32 $0xFFFFE000  }
0xa6: {  	[hbm4b:s17+s3] =	stream.linear.scatter [tilespmem:s7], [sflag:$0xF], $0x2000, $0x38;
	[tilespmem:$0x13800] =	vst v63  }
0xa7: {  	_ =	swait.ge [sflag:s14], $0x2000  }
0xa8: {  	s23 =	sld [smem:$0x7FA]  }
0xa9: {  	[sflag:s14] =	ssyncset.done $0x0  }
0xaa: {  	[sflag:s14] =	ssyncadd.s32 $0xFFFFE000  }
0xab: {  	[hbm4b:s23+s3] =	stream.linear.scatter [tilespmem:s24], [sflag:$0x10], $0x2000, $0x38;
	[tilespmem:$0x13800] =	vst v63  }
0xac: {  	s17 =	sand.u32 $0x3000, s3;
	s23 =	sand.u32 $0x380, s3;
	_ =	swait.ge [sflag:s15], $0x2000  }
0xad: {  	s0 =	sor.u32 s23, s17;
	[sflag:s15] =	ssyncset.done $0x0  }
0xae: {  	s17 =	sor.u32 $0x800, s0;
	[sflag:s15] =	ssyncadd.s32 $0xFFFFE000  }
0xaf: {  	[tilespmem:s25], [sflag:$0x1] =	stream.indirect.gather [hbm4b:s1+s31], $0x80, s17, s31, $0xb8;
	[tilespmem:$0x13800] =	vst v63  }
0xb0: {  	_ =	swait.ge [sflag:s16], $0x2000  }
0xb1: {  	[sflag:s16] =	ssyncset.done $0x0  }
0xb2: {  	s23 =	sor.u32 $0x840, s0;
	[sflag:s16] =	ssyncadd.s32 $0xFFFFE000  }
0xb3: {  	[tilespmem:s2], [sflag:$0x2] =	stream.indirect.gather [hbm4b:s1+s31], $0x80, s23, s31, $0xb8;
	[tilespmem:$0x13800] =	vst v63  }
0xb4: {  	_ =	swait.ge [sflag:s18], $0x2000  }
0xb5: {  	[sflag:s18] =	ssyncset.done $0x0  }
0xb6: {  	s23 =	sor.u32 $0xC00, s0;
	[sflag:s18] =	ssyncadd.s32 $0xFFFFE000  }
0xb7: {  	[tilespmem:s4], [sflag:$0x3] =	stream.indirect.gather [hbm4b:s1+s31], $0x80, s23, s31, $0xb8;
	[tilespmem:$0x13800] =	vst v63  }
0xb8: {  	_ =	swait.ge [sflag:s19], $0x2000  }
0xb9: {  	[sflag:s19] =	ssyncset.done $0x0  }
0xba: {  	s23 =	sor.u32 $0xC40, s0;
	[sflag:s19] =	ssyncadd.s32 $0xFFFFE000  }
0xbb: {  	[tilespmem:s5], [sflag:$0x4] =	stream.indirect.gather [hbm4b:s1+s31], $0x80, s23, s31, $0xb8;
	[tilespmem:$0x13800] =	vst v63  }
0xbc: {  	_ =	swait.ge [sflag:s20], $0x2000  }
0xbd: {  	[sflag:s20] =	ssyncset.done $0x0  }
0xbe: {  	s23 =	sadd.s32 $0x1000, s0;
	[sflag:s20] =	ssyncadd.s32 $0xFFFFE000  }
0xbf: {  	[tilespmem:s6], [sflag:$0x5] =	stream.indirect.gather [hbm4b:s1+s31], $0x80, s23, s31, $0xb8;
	[tilespmem:$0x13800] =	vst v63  }
0xc0: {  	_ =	swait.ge [sflag:s21], $0x2000  }
0xc1: {  	[sflag:s21] =	ssyncset.done $0x0  }
0xc2: {  	s23 =	sadd.s32 $0x1040, s0;
	[sflag:s21] =	ssyncadd.s32 $0xFFFFE000  }
0xc3: {  	[tilespmem:s28], [sflag:$0x6] =	stream.indirect.gather [hbm4b:s1+s31], $0x80, s23, s31, $0xb8;
	[tilespmem:$0x13800] =	vst v63  }
0xc4: {  	_ =	swait.ge [sflag:s26], $0x2000  }
0xc5: {  	[sflag:s26] =	ssyncset.done $0x0  }
0xc6: {  	s23 =	sadd.s32 $0x1400, s0;
	[sflag:s26] =	ssyncadd.s32 $0xFFFFE000  }
0xc7: {  	[tilespmem:s7], [sflag:$0x7] =	stream.indirect.gather [hbm4b:s1+s31], $0x80, s23, s31, $0xb8;
	[tilespmem:$0x13800] =	vst v63  }
0xc8: {  	_ =	swait.ge [sflag:s22], $0x2000  }
0xc9: {  	[sflag:s22] =	ssyncset.done $0x0  }
0xca: {  	s0 =	sadd.s32 $0x1440, s0;
	[sflag:s22] =	ssyncadd.s32 $0xFFFFE000  }
0xcb: {  	[tilespmem:s24], [sflag:$0x8] =	stream.indirect.gather [hbm4b:s1+s31], $0x80, s0, s31, $0xb8;
	[tilespmem:$0x13800] =	vst v63  }
0xcc: {  	_ =	swait.ge [sflag:s29], $0x2000  }
0xcd: {  	s24 =	rddreg [dreg:$0xf];
	[sflag:s29] =	ssyncset.done $0x0  }
0xce: {  	[sflag:s29] =	ssyncadd.s32 $0xFFFFE000;
	s0 =	sadd.s32 $0x0, s24  }
0xcf: {  	[hbm4b:s0+s3] =	stream.linear.scatter [tilespmem:s25], [sflag:$0x9], $0x2000, $0x38;
	[tilespmem:$0x13800] =	vst v63  }
0xd0: {  	_ =	swait.ge [sflag:s8], $0x2000  }
0xd1: {  	s29 =	rddreg [dreg:$0xe];
	[sflag:s8] =	ssyncset.done $0x0  }
0xd2: {  	[sflag:s8] =	ssyncadd.s32 $0xFFFFE000;
	s0 =	sadd.s32 $0x0, s29  }
0xd3: {  	[hbm4b:s0+s3] =	stream.linear.scatter [tilespmem:s2], [sflag:$0xA], $0x2000, $0x38;
	[tilespmem:$0x13800] =	vst v63  }
0xd4: {  	_ =	swait.ge [sflag:s9], $0x2000  }
0xd5: {  	s17 =	rddreg [dreg:$0xd];
	[sflag:s9] =	ssyncset.done $0x0  }
0xd6: {  	[sflag:s9] =	ssyncadd.s32 $0xFFFFE000;
	s0 =	sadd.s32 $0x0, s17  }
0xd7: {  	[hbm4b:s0+s3] =	stream.linear.scatter [tilespmem:s4], [sflag:$0xB], $0x2000, $0x38;
	[tilespmem:$0x13800] =	vst v63  }
0xd8: {  	_ =	swait.ge [sflag:s10], $0x2000  }
0xd9: {  	s23 =	rddreg [dreg:$0xc];
	[sflag:s10] =	ssyncset.done $0x0  }
0xda: {  	[sflag:s10] =	ssyncadd.s32 $0xFFFFE000;
	s0 =	sadd.s32 $0x0, s23  }
0xdb: {  	[hbm4b:s0+s3] =	stream.linear.scatter [tilespmem:s5], [sflag:$0xC], $0x2000, $0x38;
	[tilespmem:$0x13800] =	vst v63  }
0xdc: {  	_ =	swait.ge [sflag:s11], $0x2000  }
0xdd: {  	s24 =	rddreg [dreg:$0xb];
	[sflag:s11] =	ssyncset.done $0x0  }
0xde: {  	[sflag:s11] =	ssyncadd.s32 $0xFFFFE000;
	s0 =	sadd.s32 $0x0, s24  }
0xdf: {  	[hbm4b:s0+s3] =	stream.linear.scatter [tilespmem:s6], [sflag:$0xD], $0x2000, $0x38;
	[tilespmem:$0x13800] =	vst v63  }
0xe0: {  	_ =	swait.ge [sflag:s30], $0x2000  }
0xe1: {  	s25 =	rddreg [dreg:$0xa];
	[sflag:s30] =	ssyncset.done $0x0  }
0xe2: {  	[sflag:s30] =	ssyncadd.s32 $0xFFFFE000;
	s0 =	sadd.s32 $0x0, s25  }
0xe3: {  	[hbm4b:s0+s3] =	stream.linear.scatter [tilespmem:s28], [sflag:$0xE], $0x2000, $0x38;
	[tilespmem:$0x13800] =	vst v63  }
0xe4: {  	_ =	swait.ge [sflag:s13], $0x2000  }
0xe5: {  	s9 =	simm.s32 $0x2;
	s29 =	rddreg [dreg:$0x9];
	[sflag:s13] =	ssyncset.done $0x0  }
0xe6: {  	s10 =	simm.s32 $0x3;
	[sflag:s13] =	ssyncadd.s32 $0xFFFFE000;
	s0 =	sadd.s32 $0x0, s29  }
0xe7: {  	[hbm4b:s0+s3] =	stream.linear.scatter [tilespmem:s7], [sflag:$0xF], $0x2000, $0x38;
	[tilespmem:$0x13800] =	vst v63  }
0xe8: {  	s24 =	simm.s32 $0x40000;
	s11 =	simm.s32 $0x4;
	_ =	swait.ge [sflag:s14], $0x2000  }
0xe9: {  	s25 =	simm.s32 $0x200;
	s30 =	rddreg [dreg:$0x8];
	[sflag:s14] =	ssyncset.done $0x0  }
0xea: {  	s0 =	simm.s32 $0x80;
	[sflag:s14] =	ssyncadd.s32 $0xFFFFE000;
	s17 =	sadd.s32 $0x0, s30  }
.LBB2_2:
0xeb: {  	s29 =	simm.s32 $0x11800  }
0xec: {  	[hbm4b:s17+s3] =	stream.linear.scatter [tilespmem:s29], [sflag:$0x10], $0x2000, $0x38;
	[tilespmem:$0x13800] =	vst v63  }
0xed: {  	s8 =	sand.u32 $0x3000, s25;
	s28 =	sand.u32 $0x380, s0;
	_ =	swait.ge [sflag:s15], $0x2000  }
0xee: {  	s17 =	sor.u32 s28, s8;
	[sflag:s15] =	ssyncset.done $0x0  }
0xef: {  	s2 =	simm.s32 $0x3800;
	s28 =	sor.u32 $0x800, s17;
	[sflag:s15] =	ssyncadd.s32 $0xFFFFE000  }
0xf0: {  	[tilespmem:s2], [sflag:$0x1] =	stream.indirect.gather [hbm4b:s1+s31], $0x80, s28, s31, $0xb8;
	[tilespmem:$0x13800] =	vst v63  }
0xf1: {  	_ =	swait.ge [sflag:s16], $0x2000  }
0xf2: {  	[sflag:s16] =	ssyncset.done $0x0  }
0xf3: {  	s4 =	simm.s32 $0x5800;
	s28 =	sor.u32 $0x840, s17;
	[sflag:s16] =	ssyncadd.s32 $0xFFFFE000  }
0xf4: {  	[tilespmem:s4], [sflag:$0x2] =	stream.indirect.gather [hbm4b:s1+s31], $0x80, s28, s31, $0xb8;
	[tilespmem:$0x13800] =	vst v63  }
0xf5: {  	_ =	swait.ge [sflag:s18], $0x2000  }
0xf6: {  	[sflag:s18] =	ssyncset.done $0x0  }
0xf7: {  	s5 =	simm.s32 $0x7800;
	s28 =	sor.u32 $0xC00, s17;
	[sflag:s18] =	ssyncadd.s32 $0xFFFFE000  }
0xf8: {  	[tilespmem:s5], [sflag:$0x3] =	stream.indirect.gather [hbm4b:s1+s31], $0x80, s28, s31, $0xb8;
	[tilespmem:$0x13800] =	vst v63  }
0xf9: {  	_ =	swait.ge [sflag:s19], $0x2000  }
0xfa: {  	[sflag:s19] =	ssyncset.done $0x0  }
0xfb: {  	s6 =	simm.s32 $0x9800;
	s28 =	sor.u32 $0xC40, s17;
	[sflag:s19] =	ssyncadd.s32 $0xFFFFE000  }
0xfc: {  	[tilespmem:s6], [sflag:$0x4] =	stream.indirect.gather [hbm4b:s1+s31], $0x80, s28, s31, $0xb8;
	[tilespmem:$0x13800] =	vst v63  }
0xfd: {  	_ =	swait.ge [sflag:s20], $0x2000  }
0xfe: {  	[sflag:s20] =	ssyncset.done $0x0  }
0xff: {  	s30 =	simm.s32 $0xB800;
	s28 =	sadd.s32 $0x1000, s17;
	[sflag:s20] =	ssyncadd.s32 $0xFFFFE000  }
0x100: {  	[tilespmem:s30], [sflag:$0x5] =	stream.indirect.gather [hbm4b:s1+s31], $0x80, s28, s31, $0xb8;
	[tilespmem:$0x13800] =	vst v63  }
0x101: {  	_ =	swait.ge [sflag:s21], $0x2000  }
0x102: {  	[sflag:s21] =	ssyncset.done $0x0  }
0x103: {  	s7 =	simm.s32 $0xD800;
	s28 =	sadd.s32 $0x1040, s17;
	[sflag:s21] =	ssyncadd.s32 $0xFFFFE000  }
0x104: {  	[tilespmem:s7], [sflag:$0x6] =	stream.indirect.gather [hbm4b:s1+s31], $0x80, s28, s31, $0xb8;
	[tilespmem:$0x13800] =	vst v63  }
0x105: {  	_ =	swait.ge [sflag:s26], $0x2000  }
0x106: {  	[sflag:s26] =	ssyncset.done $0x0  }
0x107: {  	s8 =	simm.s32 $0xF800;
	s28 =	sadd.s32 $0x1400, s17;
	[sflag:s26] =	ssyncadd.s32 $0xFFFFE000  }
0x108: {  	[tilespmem:s8], [sflag:$0x7] =	stream.indirect.gather [hbm4b:s1+s31], $0x80, s28, s31, $0xb8;
	[tilespmem:$0x13800] =	vst v63  }
0x109: {  	_ =	swait.ge [sflag:s22], $0x2000  }
0x10a: {  	[sflag:s22] =	ssyncset.done $0x0  }
0x10b: {  	s17 =	sadd.s32 $0x1440, s17;
	[sflag:s22] =	ssyncadd.s32 $0xFFFFE000  }
0x10c: {  	[tilespmem:s29], [sflag:$0x8] =	stream.indirect.gather [hbm4b:s1+s31], $0x80, s17, s31, $0xb8;
	[tilespmem:$0x13800] =	vst v63  }
0x10d: {  	s29 =	simm.s32 $0x1  }
0x10e: {  	_ =	swait.ge [sflag:s29], $0x2000  }
0x10f: {  	s23 =	smov.u32 s24;
	s17 =	rddreg [dreg:$0xf];
	[sflag:s29] =	ssyncset.done $0x0  }
0x110: {  	[sflag:s29] =	ssyncadd.s32 $0xFFFFE000;
	s17 =	sadd.s32 s23, s17  }
0x111: {  	[hbm4b:s17+s3] =	stream.linear.scatter [tilespmem:s2], [sflag:$0x9], $0x2000, $0x38;
	[tilespmem:$0x13800] =	vst v63  }
0x112: {  	_ =	swait.ge [sflag:s9], $0x2000  }
0x113: {  	s2 =	rddreg [dreg:$0xe];
	[sflag:s9] =	ssyncset.done $0x0  }
0x114: {  	[sflag:s9] =	ssyncadd.s32 $0xFFFFE000;
	s17 =	sadd.s32 s23, s2  }
0x115: {  	[hbm4b:s17+s3] =	stream.linear.scatter [tilespmem:s4], [sflag:$0xA], $0x2000, $0x38;
	[tilespmem:$0x13800] =	vst v63  }
0x116: {  	_ =	swait.ge [sflag:s10], $0x2000  }
0x117: {  	s2 =	rddreg [dreg:$0xd];
	[sflag:s10] =	ssyncset.done $0x0  }
0x118: {  	[sflag:s10] =	ssyncadd.s32 $0xFFFFE000;
	s17 =	sadd.s32 s23, s2  }
0x119: {  	[hbm4b:s17+s3] =	stream.linear.scatter [tilespmem:s5], [sflag:$0xB], $0x2000, $0x38;
	[tilespmem:$0x13800] =	vst v63  }
0x11a: {  	_ =	swait.ge [sflag:s11], $0x2000  }
0x11b: {  	s4 =	rddreg [dreg:$0xc];
	[sflag:s11] =	ssyncset.done $0x0  }
0x11c: {  	[sflag:s11] =	ssyncadd.s32 $0xFFFFE000;
	s17 =	sadd.s32 s23, s4  }
0x11d: {  	[hbm4b:s17+s3] =	stream.linear.scatter [tilespmem:s6], [sflag:$0xC], $0x2000, $0x38;
	[tilespmem:$0x13800] =	vst v63  }
0x11e: {  	_ =	swait.ge [sflag:s12], $0x2000  }
0x11f: {  	s5 =	rddreg [dreg:$0xb];
	[sflag:s12] =	ssyncset.done $0x0  }
0x120: {  	[sflag:s12] =	ssyncadd.s32 $0xFFFFE000;
	s17 =	sadd.s32 s23, s5  }
0x121: {  	[hbm4b:s17+s3] =	stream.linear.scatter [tilespmem:s30], [sflag:$0xD], $0x2000, $0x38;
	[tilespmem:$0x13800] =	vst v63  }
0x122: {  	s30 =	simm.s32 $0x6  }
0x123: {  	_ =	swait.ge [sflag:s30], $0x2000  }
0x124: {  	s6 =	rddreg [dreg:$0xa];
	[sflag:s30] =	ssyncset.done $0x0  }
0x125: {  	[sflag:s30] =	ssyncadd.s32 $0xFFFFE000;
	s17 =	sadd.s32 s23, s6  }
0x126: {  	[hbm4b:s17+s3] =	stream.linear.scatter [tilespmem:s7], [sflag:$0xE], $0x2000, $0x38;
	[tilespmem:$0x13800] =	vst v63  }
0x127: {  	_ =	swait.ge [sflag:s13], $0x2000  }
0x128: {  	p0 =	sne.s32 s24, $0x4C0000;
	s7 =	rddreg [dreg:$0x9];
	[sflag:s13] =	ssyncset.done $0x0  }
.Ltmp0:
0x129: {  	[sflag:s13] =	ssyncadd.s32 $0xFFFFE000;
	s17 =	sadd.s32 s23, s7;
	(pc) =	sbr.rel @p0 .LBB2_2-.Ltmp0, $4  }
0x12a: {  	[hbm4b:s17+s3] =	stream.linear.scatter [tilespmem:s8], [sflag:$0xF], $0x2000, $0x38;
	[tilespmem:$0x13800] =	vst v63  }
0x12b: {  	s24 =	sadd.s32 $0x40000, s24;
	s0 =	sadd.s32 $0x80, s0;
	_ =	swait.ge [sflag:s14], $0x2000  }
0x12c: {  	s25 =	sadd.s32 $0x200, s25;
	[sflag:s14] =	ssyncset.done $0x0;
	s8 =	rddreg [dreg:$0x8]  }
0x12d: {  	s28 =	simm.s32 $0x11800;
	[sflag:s14] =	ssyncadd.s32 $0xFFFFE000;
	s17 =	sadd.s32 s23, s8  }
0x12e: {  	[hbm4b:s17+s3] =	stream.linear.scatter [tilespmem:s28], [sflag:$0x10], $0x2000, $0x38;
	[tilespmem:$0x13800] =	vst v63  }
0x12f: {  	_ =	swait.ge [sflag:s15], $0x2000  }
0x130: {  	[sflag:s15] =	ssyncset.done $0x0  }
0x131: {  	[sflag:s15] =	ssyncadd.s32 $0xFFFFE000  }
0x132: {  	_ =	swait.ge [sflag:s16], $0x2000  }
0x133: {  	[sflag:s16] =	ssyncset.done $0x0  }
0x134: {  	[sflag:s16] =	ssyncadd.s32 $0xFFFFE000  }
0x135: {  	_ =	swait.ge [sflag:s18], $0x2000  }
0x136: {  	[sflag:s18] =	ssyncset.done $0x0  }
0x137: {  	[sflag:s18] =	ssyncadd.s32 $0xFFFFE000  }
0x138: {  	_ =	swait.ge [sflag:s19], $0x2000  }
0x139: {  	[sflag:s19] =	ssyncset.done $0x0  }
0x13a: {  	[sflag:s19] =	ssyncadd.s32 $0xFFFFE000  }
0x13b: {  	_ =	swait.ge [sflag:s20], $0x2000  }
0x13c: {  	[sflag:s20] =	ssyncset.done $0x0  }
0x13d: {  	[sflag:s20] =	ssyncadd.s32 $0xFFFFE000  }
0x13e: {  	_ =	swait.ge [sflag:s21], $0x2000  }
0x13f: {  	[sflag:s21] =	ssyncset.done $0x0  }
0x140: {  	[sflag:s21] =	ssyncadd.s32 $0xFFFFE000  }
0x141: {  	_ =	swait.ge [sflag:s26], $0x2000  }
0x142: {  	[sflag:s26] =	ssyncset.done $0x0  }
0x143: {  	[sflag:s26] =	ssyncadd.s32 $0xFFFFE000  }
0x144: {  	_ =	swait.ge [sflag:s22], $0x2000  }
0x145: {  	s2 =	sld [smem:$0x7F9]  }
0x146: {  	s0 =	sld [smem:$0x7FD];
	_ =	sdelay $0x1  }
0x147: {  	s2 =	sadd.s32 $0x1, s2  }
0x148: {  	p0 =	sne.s32 s2, s0  }
.Ltmp1:
0x149: {  	_ = 	snop;
	(pc) =	sbr.rel @p0 .LBB2_1-.Ltmp1, $3  }
0x14a: {  	_ =	sdelay $0x1  }
0x14b: {  	s8 =	simm.s32 $0x2;
	s9 =	simm.s32 $0x3;
	[sflag:s22] =	ssyncset.done $0x0  }
0x14c: {  	s10 =	simm.s32 $0x4;
	s11 =	simm.s32 $0x5;
	[sflag:s22] =	ssyncadd.s32 $0xFFFFE000  }
0x14d: {  	_ =	sfence.sel $0x180000  }
0x14e: {  	[bflag:$0x0] =	sbarrier.arrive $0xFFFF  }
0x14f: {  	_ =	strace $0x90000047  }
0x150: {  	s0 =	stileid.u32;
	[bflag:$0x2] =	sbarrier.arrive $0xFFFF  }
0x151: {  	p0 =	sne.s32 s0, $0x0;
	s0 =	rddreg [dreg:$0x7]  }
0x152: {  	s0 =	sadd.s32 @!p0 $0x100000, s0  }
0x153: {  	[sflag:s0] =	ssyncadd.tile.s32 @!p0 $0x1;
	_ =	shalt  }
.Lfunc_end2:
_tile_overlayer_lowered:
.L_overlay_start_2:
0x154: {  	(tag) =	ssettag $0x2  }
0x155: {  	s0 =	rddreg [dreg:$0x0];
	s2 =	stileid.u32  }
0x156: {  	s1 =	rddreg [dreg:$0x1];
	p0 =	sne.s32 s2, $0x0  }
0x157: {  	s3 =	rddreg [dreg:$0x2];
	[bflag:$0x3] =	sbarrier.arrive $0xFFFF;
	s2 =	simm.s32 @!p0 $0x1C11  }
0x158: {  	[timem:s3], [sflag:s2] =	dma.local @!p0 [hbm:s0], s1  }
0x159: {  	s0 =	simm.s32 @!p0 $0x11  }
0x15a: {  	_ =	swait.ge @!p0 [sflag:s0], s1  }
0x15b: {  	s1 =	ssub.s32 @!p0 $0x0, s1;
	[sflag:s0] =	ssyncset.done @!p0 $0x0  }
0x15c: {  	[sflag:s0] =	ssyncadd.s32 @!p0 s1  }
0x15d: {  	[bflag:$0x3] =	sbarrier.arrive $0xFFFF  }
0x15e: {  	_ =	shalt  }

</sc_bundles>
